<compile_context>
chip_gen: v7x
topology: tpu7x:2x2x1
jax: 0.10.2.dev20260603
libtpu: 0.0.44.dev20260713+nightly
codegen_flags: <defaults>
</compile_context>

<pallas_src>
import functools

import jax
import jax.numpy as jnp
from jax import lax
from jax.experimental import pallas as pl
from jax.experimental.pallas import tpu as pltpu
from jax.experimental.pallas import tpu_sc as plsc

_NC = 2
_NS = 16
_BLK = 80
_BN = 1000



def _table_body(x_ref, wa_ref, wb_ref, be_ref, a_ref, b_ref):
    x = x_ref[...]
    a_ref[0] = jnp.dot(x, wa_ref[0], preferred_element_type=jnp.float32)
    a_ref[1] = jnp.dot(x, wa_ref[1], preferred_element_type=jnp.float32)
    b_ref[0] = jnp.dot(x, wb_ref[0], preferred_element_type=jnp.float32) + be_ref[0:1, :]
    b_ref[1] = jnp.dot(x, wb_ref[1], preferred_element_type=jnp.float32) + be_ref[1:2, :]


def _table_call(h, wa, wb, be, n, din):
    grid = (n // _BN,)
    return pl.pallas_call(
        _table_body,
        grid=grid,
        in_specs=[
            pl.BlockSpec((_BN, din), lambda i: (i, 0)),
            pl.BlockSpec((2, din, 32), lambda i: (0, 0, 0)),
            pl.BlockSpec((2, din, 32), lambda i: (0, 0, 0)),
            pl.BlockSpec((2, 32), lambda i: (0, 0)),
        ],
        out_specs=[
            pl.BlockSpec((2, _BN, 32), lambda i: (0, i, 0)),
            pl.BlockSpec((2, _BN, 32), lambda i: (0, i, 0)),
        ],
        out_shape=[
            jax.ShapeDtypeStruct((2, n, 32), jnp.float32),
            jax.ShapeDtypeStruct((2, n, 32), jnp.float32),
        ],
    )(h, wa, wb, be)


def _post_body(s00, s01, s10, s11, c00, c01, c10, c11,
               h_ref, wa_ref, wb_ref, wc_ref, bn_ref, o_ref):
    c0 = jnp.maximum(c00[:, 0:1] + c10[:, 0:1], 1.0)
    c1 = jnp.maximum(c01[:, 0:1] + c11[:, 0:1], 1.0)
    m0 = (s00[...] + s10[...]) / c0
    m1 = (s01[...] + s11[...]) / c1
    o = (jnp.dot(m0, wa_ref[...], preferred_element_type=jnp.float32)
         + jnp.dot(m1, wb_ref[...], preferred_element_type=jnp.float32)
         + jnp.dot(h_ref[...], wc_ref[...], preferred_element_type=jnp.float32)
         + bn_ref[...])
    o_ref[...] = jnp.maximum(o, 0.0)


def _post_call(S, C, h, wn, bn, n, din, dout):
    nb = n // _BN
    s_specs = [pl.BlockSpec((_BN, 32), lambda i, k=k: (i + k * nb, 0))
               for k in range(4)]
    c_specs = [pl.BlockSpec((_BN, 16), lambda i, k=k: (i + k * nb, 0))
               for k in range(4)]
    return pl.pallas_call(
        _post_body,
        grid=(nb,),
        in_specs=s_specs + c_specs + [
            pl.BlockSpec((_BN, din), lambda i: (i, 0)),
            pl.BlockSpec((32, dout), lambda i: (0, 0)),
            pl.BlockSpec((32, dout), lambda i: (0, 0)),
            pl.BlockSpec((din, dout), lambda i: (0, 0)),
            pl.BlockSpec((1, dout), lambda i: (0, 0)),
        ],
        out_specs=pl.BlockSpec((_BN, dout), lambda i: (i, 0)),
        out_shape=jax.ShapeDtypeStruct((n, dout), jnp.float32),
    )(S, S, S, S, C, C, C, C, h,
      wn[:32], wn[32:64], wn[64:], bn.reshape(1, dout))



def _edge_body(with_counts, n2, E, *refs):
    per_w = E // (_NC * _NS)
    nb = per_w // _BLK
    rpt_lo = (n2 // _NS) // 8 * 8
    rpt_hi = n2 - rpt_lo * (_NS - 1)
    if with_counts:
        (ia_hbm, ib_hbm, a_hbm, b_hbm, s_hbm, c_hbm,
         ia_v, ib_v, ar, br, zb, ones_v, zb16, acc, cacc, sem_a, sem_b) = refs
    else:
        (ia_hbm, ib_hbm, a_hbm, b_hbm, s_hbm,
         ia_v, ib_v, ar, br, zb, acc, sem_a, sem_b) = refs

    cid = lax.axis_index("c")
    sid = lax.axis_index("s")
    wid = sid * _NC + cid

    zero16 = jnp.zeros((16,), jnp.float32)
    last = sid == _NS - 1

    def zrow(r, c):
        zb[r, pl.ds(0, 16)] = zero16
        zb[r, pl.ds(16, 16)] = zero16
        return c
    lax.fori_loop(0, rpt_hi, zrow, 0)

    @pl.when(jnp.logical_not(last))
    def _():
        pltpu.sync_copy(zb.at[pl.ds(0, rpt_lo)],
                        acc.at[pl.ds(sid * rpt_lo, rpt_lo)])

    @pl.when(last)
    def _():
        pltpu.sync_copy(zb, acc.at[pl.ds((_NS - 1) * rpt_lo, rpt_hi)])

    if with_counts:
        one0 = jnp.where(lax.iota(jnp.int32, 16) < 1,
                         jnp.full((16,), 1.0, jnp.float32),
                         jnp.zeros((16,), jnp.float32))

        def orow(r, c):
            ones_v[r, pl.ds(0, 16)] = one0
            return c
        lax.fori_loop(0, _BLK, orow, 0)

        def z16row(r, c):
            zb16[r, pl.ds(0, 16)] = zero16
            return c
        lax.fori_loop(0, rpt_hi, z16row, 0)

        @pl.when(jnp.logical_not(last))
        def _():
            pltpu.sync_copy(zb16.at[pl.ds(0, rpt_lo)],
                            cacc.at[pl.ds(sid * rpt_lo, rpt_lo)])

        @pl.when(last)
        def _():
            pltpu.sync_copy(zb16, cacc.at[pl.ds((_NS - 1) * rpt_lo, rpt_hi)])

    plsc.subcore_barrier()

    def blk(b, c):
        off = wid * per_w + b * _BLK
        pltpu.sync_copy(ia_hbm.at[pl.ds(off, _BLK)], ia_v)
        pltpu.sync_copy(ib_hbm.at[pl.ds(off, _BLK)], ib_v)
        da = pltpu.async_copy(a_hbm.at[ia_v], ar, sem_a)
        db = pltpu.async_copy(b_hbm.at[ib_v], br, sem_b)
        da.wait()
        db.wait()

        def rw(r, cc):
            for hh in range(2):
                sl = pl.ds(16 * hh, 16)
                br[r, sl] = jnp.maximum(ar[r, sl] + br[r, sl], 0.0)
            return cc
        lax.fori_loop(0, _BLK, rw, 0)

        pltpu.sync_copy(br, acc.at[ib_v], add=True)
        if with_counts:
            pltpu.sync_copy(ones_v, cacc.at[ib_v], add=True)
        return c
    lax.fori_loop(0, nb, blk, 0)

    plsc.subcore_barrier()
    roff = cid * n2 + sid * rpt_lo

    @pl.when(jnp.logical_not(last))
    def _():
        pltpu.sync_copy(acc.at[pl.ds(sid * rpt_lo, rpt_lo)],
                        s_hbm.at[pl.ds(roff, rpt_lo)])
        if with_counts:
            pltpu.sync_copy(cacc.at[pl.ds(sid * rpt_lo, rpt_lo)],
                            c_hbm.at[pl.ds(roff, rpt_lo)])

    @pl.when(last)
    def _():
        pltpu.sync_copy(acc.at[pl.ds((_NS - 1) * rpt_lo, rpt_hi)],
                        s_hbm.at[pl.ds(roff, rpt_hi)])
        if with_counts:
            pltpu.sync_copy(cacc.at[pl.ds((_NS - 1) * rpt_lo, rpt_hi)],
                            c_hbm.at[pl.ds(roff, rpt_hi)])


@functools.lru_cache(maxsize=None)
def _edge_call(n2, E, with_counts):
    rpt_lo = (n2 // _NS) // 8 * 8
    rpt = n2 - rpt_lo * (_NS - 1)
    mesh = plsc.VectorSubcoreMesh(core_axis_name="c", subcore_axis_name="s",
                                  num_cores=_NC, num_subcores=_NS)
    out_type = [jax.ShapeDtypeStruct((_NC * n2, 32), jnp.float32)]
    if with_counts:
        out_type.append(jax.ShapeDtypeStruct((_NC * n2, 16), jnp.float32))
    scratch = [
        pltpu.VMEM((_BLK,), jnp.int32),
        pltpu.VMEM((_BLK,), jnp.int32),
        pltpu.VMEM((_BLK, 32), jnp.float32),
        pltpu.VMEM((_BLK, 32), jnp.float32),
        pltpu.VMEM((rpt, 32), jnp.float32),
    ]
    if with_counts:
        scratch += [
            pltpu.VMEM((_BLK, 16), jnp.float32),
            pltpu.VMEM((rpt, 16), jnp.float32),
        ]
    scratch += [pltpu.VMEM_SHARED((n2, 32), jnp.float32)]
    if with_counts:
        scratch += [pltpu.VMEM_SHARED((n2, 16), jnp.float32)]
    scratch += [pltpu.SemaphoreType.DMA, pltpu.SemaphoreType.DMA]
    return pl.kernel(
        functools.partial(_edge_body, with_counts, n2, E),
        mesh=mesh,
        compiler_params=pltpu.CompilerParams(use_tc_tiling_on_sc=False),
        out_type=out_type,
        scratch_types=scratch,
    )



def kernel(nf, edge_index, edge_type,
           We0_0, be0_0, We0_1, be0_1, Wn0, bn0,
           We1_0, be1_0, We1_1, be1_1, Wn1, bn1,
           We2_0, be2_0, We2_1, be2_1, Wn2, bn2):
    n = nf.shape[0]
    E = edge_type.shape[0]
    n2 = 2 * n
    src, dst = edge_index[0], edge_index[1]
    ia = edge_type * n + src
    ib = edge_type * n + dst

    params = [
        (We0_0, be0_0, We0_1, be0_1, Wn0, bn0),
        (We1_0, be1_0, We1_1, be1_1, Wn1, bn1),
        (We2_0, be2_0, We2_1, be2_1, Wn2, bn2),
    ]
    h = nf
    C = None
    for l, (we0, be0, we1, be1, wn, bnv) in enumerate(params):
        din = h.shape[1]
        wa = jnp.stack([we0[:din], we1[:din]])
        wb = jnp.stack([we0[din:], we1[din:]])
        be = jnp.stack([be0, be1])
        A, B = _table_call(h, wa, wb, be, n, din)
        A2 = A.reshape(n2, 32)
        B2 = B.reshape(n2, 32)
        if l == 0:
            S, C = _edge_call(n2, E, True)(ia, ib, A2, B2)
        else:
            (S,) = _edge_call(n2, E, False)(ia, ib, A2, B2)
        dout = wn.shape[1]
        h = _post_call(S, C, h, wn, bnv, n, din, dout)
    return h

# --- scband reference (transcript-rebuilt; emitter-appended) ---
"""Pipeline reference for scband-graph-neural-net-37185826849006 (READ-ONLY COPY).

The authoritative reference and input builder live on the scoring server;
editing this copy changes nothing except your own understanding.
"""

import jax, jax.numpy as jnp
import numpy as np

N = 10000
E = 320000
DIMS = [(128, 32), (32, 32), (32, 128)]
HID = 32


def _mlp(x, W, b):
    return jax.nn.relu(x @ W + b)


def _layer(nf, src, dst, et, We0, be0, We1, be1, Wn, bn):
    # message: MLP(concat(src_nf, dst_nf)) per edge type; reduce: mean over mailbox per dst
    ef_in = jnp.concatenate([nf[src], nf[dst]], axis=-1)
    msgs = []
    for e, (We, be) in enumerate(((We0, be0), (We1, be1))):
        m = _mlp(ef_in, We, be)
        mask = (et == e).astype(m.dtype)[:, None]
        s = jax.ops.segment_sum(m * mask, dst, num_segments=N)
        cnt = jax.ops.segment_sum(mask, dst, num_segments=N)
        msgs.append(s / jnp.maximum(cnt, 1.0))
    x = jnp.concatenate(msgs + [nf], axis=-1)
    return _mlp(x, Wn, bn)


def setup_inputs(seed: int = 0):
    key = jax.random.key(seed)
    ks = jax.random.split(key, 32)
    inp = {}
    inp["nf"] = jax.random.normal(ks[0], (N, DIMS[0][0]), dtype=jnp.float32)
    inp["edge_index"] = jax.random.randint(ks[1], (2, E), 0, N, dtype=jnp.int32)
    inp["edge_type"] = jax.random.randint(ks[2], (E,), 0, 2, dtype=jnp.int32)
    ki = 3
    for l, (din, dout) in enumerate(DIMS):
        for e in range(2):
            inp["We{}_{}".format(l, e)] = jax.random.normal(ks[ki], (2 * din, HID), dtype=jnp.float32) * 0.05
            ki += 1
            inp["be{}_{}".format(l, e)] = jnp.zeros((HID,), dtype=jnp.float32)
        inp["Wn{}".format(l)] = jax.random.normal(ks[ki], (2 * HID + din, dout), dtype=jnp.float32) * 0.05
        ki += 1
        inp["bn{}".format(l)] = jnp.zeros((dout,), dtype=jnp.float32)
    return inp


def reference(nf, edge_index, edge_type,
              We0_0, be0_0, We0_1, be0_1, Wn0, bn0,
              We1_0, be1_0, We1_1, be1_1, Wn1, bn1,
              We2_0, be2_0, We2_1, be2_1, Wn2, bn2):
    src, dst = edge_index[0], edge_index[1]
    h = _layer(nf, src, dst, edge_type, We0_0, be0_0, We0_1, be0_1, Wn0, bn0)
    h = _layer(h, src, dst, edge_type, We1_0, be1_0, We1_1, be1_1, Wn1, bn1)
    h = _layer(h, src, dst, edge_type, We2_0, be2_0, We2_1, be2_1, Wn2, bn2)
    return h

if __name__ == "__main__":
    import jax
    _d = setup_inputs()
    print(jax.jit(kernel)(*tuple(_d.values())))

</pallas_src>

<mosaic_0001>
#map = affine_map<(d0, d1) -> (0)>
#map1 = affine_map<(d0, d1) -> (0, 0)>
module attributes {stable_mosaic.version = 14 : i64} {
  func.func @_edge_body(%arg0: i32, %arg1: i32, %arg2: memref<320000xi32, #tpu.memory_space<hbm>>, %arg3: memref<320000xi32, #tpu.memory_space<hbm>>, %arg4: memref<20000x32xf32, #tpu.memory_space<hbm>>, %arg5: memref<20000x32xf32, #tpu.memory_space<hbm>>, %arg6: memref<40000x32xf32, #tpu.memory_space<hbm>>, %arg7: memref<40000x16xf32, #tpu.memory_space<hbm>>, %arg8: memref<80xi32, #tpu.memory_space<vmem>>, %arg9: memref<80xi32, #tpu.memory_space<vmem>>, %arg10: memref<80x32xf32, #tpu.memory_space<vmem>>, %arg11: memref<80x32xf32, #tpu.memory_space<vmem>>, %arg12: memref<1280x32xf32, #tpu.memory_space<vmem>>, %arg13: memref<80x16xf32, #tpu.memory_space<vmem>>, %arg14: memref<1280x16xf32, #tpu.memory_space<vmem>>, %arg15: memref<20000x32xf32, #tpu.memory_space<vmem_shared>>, %arg16: memref<20000x16xf32, #tpu.memory_space<vmem_shared>>, %arg17: memref<!tpu.dma_semaphore, #tpu.memory_space<semaphore_mem>>, %arg18: memref<!tpu.dma_semaphore, #tpu.memory_space<semaphore_mem>>) attributes {dimension_semantics = [#tpu.dimension_semantics<core_parallel>, #tpu.dimension_semantics<subcore_parallel>], iteration_bounds = array<i64: 2, 16>, scalar_prefetch = 0 : i64, scratch_operands = 11 : i64, tpu.core_type = #tpu.core_type<sc_vector_subcore>, window_params = [{transform_indices = #map}, {transform_indices = #map}, {transform_indices = #map1}, {transform_indices = #map1}, {transform_indices = #map1}, {transform_indices = #map1}]} {
    %mul3A = arith.constant 2 : i32
    %mul3A_0 = arith.muli %arg1, %mul3A : i32
    %add3A = arith.addi %mul3A_0, %arg0 : i32
    %broadcast_in_dim3A = arith.constant 0.000000e+00 : f32
    %broadcast_in_dim3A_1 = vector.broadcast %broadcast_in_dim3A : f32 to vector<16xf32>
    %eq3A = arith.constant 15 : i32
    %eq3A_2 = arith.cmpi eq, %arg1, %eq3A : i32
    %scan3A = arith.constant 0 : i32
    %scan3A_3 = arith.constant 0 : i32
    %scan3A_4 = arith.constant 1280 : i32
    %scan3A_5 = arith.addi %scan3A_3, %scan3A_4 : i32
    %scan3A_6 = arith.constant 1 : i32
    scf.for %scan3A_59 = %scan3A_3 to %scan3A_5 step %scan3A_6  : i32 {
      %swap3A = arith.index_cast %scan3A_59 : i32 to index
      %swap3A_60 = arith.constant 0 : index
      %swap3A_61 = tpu.vector_load %arg12[%swap3A, %swap3A_60] {strides = array<i32>} : memref<1280x32xf32, #tpu.memory_space<vmem>>, vector<1x16xf32>,
      %swap3A_62 = vector.shape_cast %swap3A_61 : vector<1x16xf32> to vector<16xf32>
      %swap3A_63 = vector.shape_cast %broadcast_in_dim3A_1 : vector<16xf32> to vector<1x16xf32>
      tpu.vector_store %arg12[%swap3A, %swap3A_60], %swap3A_63 {strides = array<i32>} : memref<1280x32xf32, #tpu.memory_space<vmem>>, vector<1x16xf32>,
      %swap3A_64 = arith.index_cast %scan3A_59 : i32 to index
      %swap3A_65 = arith.constant 16 : index
      %swap3A_66 = tpu.vector_load %arg12[%swap3A_64, %swap3A_65] {strides = array<i32>} : memref<1280x32xf32, #tpu.memory_space<vmem>>, vector<1x16xf32>,
      %swap3A_67 = vector.shape_cast %swap3A_66 : vector<1x16xf32> to vector<16xf32>
      %swap3A_68 = vector.shape_cast %broadcast_in_dim3A_1 : vector<16xf32> to vector<1x16xf32>
      tpu.vector_store %arg12[%swap3A_64, %swap3A_65], %swap3A_68 {strides = array<i32>} : memref<1280x32xf32, #tpu.memory_space<vmem>>, vector<1x16xf32>,
    }
    %scan3A_7 = arith.constant 1280 : i32
    %not3A = arith.constant true
    %not3A_8 = arith.xori %eq3A_2, %not3A : i1
    %convert_element_type3A = arith.extui %not3A_8 : i1 to i32
    %cond3A = arith.constant 0 : i32
    %cond3A_9 = arith.cmpi ne, %convert_element_type3A, %cond3A : i32
    scf.if %cond3A_9 {
      %mul3A_59 = arith.constant 1248 : i32
      %mul3A_60 = arith.muli %arg1, %mul3A_59 : i32
      "tpu.region"() ({
        %run_scoped3A = tpu.sem_alloc : memref<!tpu.dma_semaphore, #tpu.memory_space<semaphore_mem>>
        %dma_start3A = arith.constant 0 : i32
        %dma_start3A_61 = arith.constant 0 : i32
        %dma_start3A_62 = tpu.memref_slice %arg12[%dma_start3A, %dma_start3A_61] : memref<1280x32xf32, #tpu.memory_space<vmem>> -> memref<1248x32xf32, #tpu.memory_space<vmem>>
        %dma_start3A_63 = arith.constant 0 : i32
        %dma_start3A_64 = tpu.memref_slice %arg15[%mul3A_60, %dma_start3A_63] : memref<20000x32xf32, #tpu.memory_space<vmem_shared>> -> memref<1248x32xf32, #tpu.memory_space<vmem_shared>>
        %dma_start3A_65 = arith.constant 0 : i32
        %dma_start3A_66 = tpu.memref_slice %arg15[%mul3A_60, %dma_start3A_65] : memref<20000x32xf32, #tpu.memory_space<vmem_shared>> -> memref<1248x32xf32, #tpu.memory_space<vmem_shared>>
        %dma_start3A_67 = arith.constant 0 : i32
        %dma_start3A_68 = arith.constant 0 : i32
        %dma_start3A_69 = tpu.memref_slice %arg12[%dma_start3A_67, %dma_start3A_68] : memref<1280x32xf32, #tpu.memory_space<vmem>> -> memref<1248x32xf32, #tpu.memory_space<vmem>>
        tpu.enqueue_dma source(%dma_start3A_69 : memref<1248x32xf32, #tpu.memory_space<vmem>>) target(%dma_start3A_66 : memref<1248x32xf32, #tpu.memory_space<vmem_shared>>) target_semaphore(%run_scoped3A : memref<!tpu.dma_semaphore, #tpu.memory_space<semaphore_mem>>)
        %dma_wait3A = arith.constant 0 : i32
        %dma_wait3A_70 = arith.constant 0 : i32
        %dma_wait3A_71 = tpu.memref_slice %arg12[%dma_wait3A, %dma_wait3A_70] : memref<1280x32xf32, #tpu.memory_space<vmem>> -> memref<1248x32xf32, #tpu.memory_space<vmem>>
        %dma_wait3A_72 = arith.constant 0 : i32
        %dma_wait3A_73 = tpu.memref_slice %arg15[%mul3A_60, %dma_wait3A_72] : memref<20000x32xf32, #tpu.memory_space<vmem_shared>> -> memref<1248x32xf32, #tpu.memory_space<vmem_shared>>
        %dma_wait3A_74 = arith.constant 0 : i32
        %dma_wait3A_75 = tpu.memref_slice %arg15[%mul3A_60, %dma_wait3A_74] : memref<20000x32xf32, #tpu.memory_space<vmem_shared>> -> memref<1248x32xf32, #tpu.memory_space<vmem_shared>>
        %dma_wait3A_76 = arith.constant 0 : i32
        %dma_wait3A_77 = arith.constant 0 : i32
        %dma_wait3A_78 = tpu.memref_slice %arg12[%dma_wait3A_76, %dma_wait3A_77] : memref<1280x32xf32, #tpu.memory_space<vmem>> -> memref<1248x32xf32, #tpu.memory_space<vmem>>
        tpu.wait_dma2 semaphore(%run_scoped3A : memref<!tpu.dma_semaphore, #tpu.memory_space<semaphore_mem>>) src(%dma_wait3A_78 : memref<1248x32xf32, #tpu.memory_space<vmem>>) dst(%dma_wait3A_75 : memref<1248x32xf32, #tpu.memory_space<vmem_shared>>)
        tpu.yield
      }) : () -> ()
    } else {
    }
    %convert_element_type3A_10 = arith.extui %eq3A_2 : i1 to i32
    %cond3A_11 = arith.constant 0 : i32
    %cond3A_12 = arith.cmpi ne, %convert_element_type3A_10, %cond3A_11 : i32
    scf.if %cond3A_12 {
      "tpu.region"() ({
        %run_scoped3A = tpu.sem_alloc : memref<!tpu.dma_semaphore, #tpu.memory_space<semaphore_mem>>
        %dma_start3A = arith.constant 18720 : i32
        %dma_start3A_59 = arith.constant 0 : i32
        %dma_start3A_60 = tpu.memref_slice %arg15[%dma_start3A, %dma_start3A_59] : memref<20000x32xf32, #tpu.memory_space<vmem_shared>> -> memref<1280x32xf32, #tpu.memory_space<vmem_shared>>
        %dma_start3A_61 = arith.constant 18720 : i32
        %dma_start3A_62 = arith.constant 0 : i32
        %dma_start3A_63 = tpu.memref_slice %arg15[%dma_start3A_61, %dma_start3A_62] : memref<20000x32xf32, #tpu.memory_space<vmem_shared>> -> memref<1280x32xf32, #tpu.memory_space<vmem_shared>>
        tpu.enqueue_dma source(%arg12 : memref<1280x32xf32, #tpu.memory_space<vmem>>) target(%dma_start3A_63 : memref<1280x32xf32, #tpu.memory_space<vmem_shared>>) target_semaphore(%run_scoped3A : memref<!tpu.dma_semaphore, #tpu.memory_space<semaphore_mem>>)
        %dma_wait3A = arith.constant 18720 : i32
        %dma_wait3A_64 = arith.constant 0 : i32
        %dma_wait3A_65 = tpu.memref_slice %arg15[%dma_wait3A, %dma_wait3A_64] : memref<20000x32xf32, #tpu.memory_space<vmem_shared>> -> memref<1280x32xf32, #tpu.memory_space<vmem_shared>>
        %dma_wait3A_66 = arith.constant 18720 : i32
        %dma_wait3A_67 = arith.constant 0 : i32
        %dma_wait3A_68 = tpu.memref_slice %arg15[%dma_wait3A_66, %dma_wait3A_67] : memref<20000x32xf32, #tpu.memory_space<vmem_shared>> -> memref<1280x32xf32, #tpu.memory_space<vmem_shared>>
        tpu.wait_dma2 semaphore(%run_scoped3A : memref<!tpu.dma_semaphore, #tpu.memory_space<semaphore_mem>>) src(%arg12 : memref<1280x32xf32, #tpu.memory_space<vmem>>) dst(%dma_wait3A_68 : memref<1280x32xf32, #tpu.memory_space<vmem_shared>>)
        tpu.yield
      }) : () -> ()
    } else {
    }
    %iota3A = tpu.iota {dimensions = array<i32: 0>} : vector<16xi32>
    %lt3A = arith.constant 1 : i32
    %lt3A_13 = vector.broadcast %lt3A : i32 to vector<16xi32>
    %lt3A_14 = arith.cmpi slt, %iota3A, %lt3A_13 : vector<16xi32>
    %broadcast_in_dim3A_15 = arith.constant 1.000000e+00 : f32
    %broadcast_in_dim3A_16 = vector.broadcast %broadcast_in_dim3A_15 : f32 to vector<16xf32>
    %broadcast_in_dim3A_17 = arith.constant 0.000000e+00 : f32
    %broadcast_in_dim3A_18 = vector.broadcast %broadcast_in_dim3A_17 : f32 to vector<16xf32>
    %select_n3A = arith.select %lt3A_14, %broadcast_in_dim3A_16, %broadcast_in_dim3A_18 : vector<16xi1>, vector<16xf32>
    %scan3A_19 = arith.constant 0 : i32
    %scan3A_20 = arith.constant 0 : i32
    %scan3A_21 = arith.constant 80 : i32
    %scan3A_22 = arith.addi %scan3A_20, %scan3A_21 : i32
    %scan3A_23 = arith.constant 1 : i32
    scf.for %scan3A_59 = %scan3A_20 to %scan3A_22 step %scan3A_23  : i32 {
      %swap3A = arith.index_cast %scan3A_59 : i32 to index
      %swap3A_60 = arith.constant 0 : index
      %swap3A_61 = tpu.vector_load %arg13[%swap3A, %swap3A_60] {strides = array<i32>} : memref<80x16xf32, #tpu.memory_space<vmem>>, vector<1x16xf32>,
      %swap3A_62 = vector.shape_cast %swap3A_61 : vector<1x16xf32> to vector<16xf32>
      %swap3A_63 = vector.shape_cast %select_n3A : vector<16xf32> to vector<1x16xf32>
      tpu.vector_store %arg13[%swap3A, %swap3A_60], %swap3A_63 {strides = array<i32>} : memref<80x16xf32, #tpu.memory_space<vmem>>, vector<1x16xf32>,
    }
    %scan3A_24 = arith.constant 80 : i32
    %scan3A_25 = arith.constant 0 : i32
    %scan3A_26 = arith.constant 0 : i32
    %scan3A_27 = arith.constant 1280 : i32
    %scan3A_28 = arith.addi %scan3A_26, %scan3A_27 : i32
    %scan3A_29 = arith.constant 1 : i32
    scf.for %scan3A_59 = %scan3A_26 to %scan3A_28 step %scan3A_29  : i32 {
      %swap3A = arith.index_cast %scan3A_59 : i32 to index
      %swap3A_60 = arith.constant 0 : index
      %swap3A_61 = tpu.vector_load %arg14[%swap3A, %swap3A_60] {strides = array<i32>} : memref<1280x16xf32, #tpu.memory_space<vmem>>, vector<1x16xf32>,
      %swap3A_62 = vector.shape_cast %swap3A_61 : vector<1x16xf32> to vector<16xf32>
      %swap3A_63 = vector.shape_cast %broadcast_in_dim3A_1 : vector<16xf32> to vector<1x16xf32>
      tpu.vector_store %arg14[%swap3A, %swap3A_60], %swap3A_63 {strides = array<i32>} : memref<1280x16xf32, #tpu.memory_space<vmem>>, vector<1x16xf32>,
    }
    %scan3A_30 = arith.constant 1280 : i32
    %not3A_31 = arith.constant true
    %not3A_32 = arith.xori %eq3A_2, %not3A_31 : i1
    %convert_element_type3A_33 = arith.extui %not3A_32 : i1 to i32
    %cond3A_34 = arith.constant 0 : i32
    %cond3A_35 = arith.cmpi ne, %convert_element_type3A_33, %cond3A_34 : i32
    scf.if %cond3A_35 {
      %mul3A_59 = arith.constant 1248 : i32
      %mul3A_60 = arith.muli %arg1, %mul3A_59 : i32
      "tpu.region"() ({
        %run_scoped3A = tpu.sem_alloc : memref<!tpu.dma_semaphore, #tpu.memory_space<semaphore_mem>>
        %dma_start3A = arith.constant 0 : i32
        %dma_start3A_61 = arith.constant 0 : i32
        %dma_start3A_62 = tpu.memref_slice %arg14[%dma_start3A, %dma_start3A_61] : memref<1280x16xf32, #tpu.memory_space<vmem>> -> memref<1248x16xf32, #tpu.memory_space<vmem>>
        %dma_start3A_63 = arith.constant 0 : i32
        %dma_start3A_64 = tpu.memref_slice %arg16[%mul3A_60, %dma_start3A_63] : memref<20000x16xf32, #tpu.memory_space<vmem_shared>> -> memref<1248x16xf32, #tpu.memory_space<vmem_shared>>
        %dma_start3A_65 = arith.constant 0 : i32
        %dma_start3A_66 = tpu.memref_slice %arg16[%mul3A_60, %dma_start3A_65] : memref<20000x16xf32, #tpu.memory_space<vmem_shared>> -> memref<1248x16xf32, #tpu.memory_space<vmem_shared>>
        %dma_start3A_67 = arith.constant 0 : i32
        %dma_start3A_68 = arith.constant 0 : i32
        %dma_start3A_69 = tpu.memref_slice %arg14[%dma_start3A_67, %dma_start3A_68] : memref<1280x16xf32, #tpu.memory_space<vmem>> -> memref<1248x16xf32, #tpu.memory_space<vmem>>
        tpu.enqueue_dma source(%dma_start3A_69 : memref<1248x16xf32, #tpu.memory_space<vmem>>) target(%dma_start3A_66 : memref<1248x16xf32, #tpu.memory_space<vmem_shared>>) target_semaphore(%run_scoped3A : memref<!tpu.dma_semaphore, #tpu.memory_space<semaphore_mem>>)
        %dma_wait3A = arith.constant 0 : i32
        %dma_wait3A_70 = arith.constant 0 : i32
        %dma_wait3A_71 = tpu.memref_slice %arg14[%dma_wait3A, %dma_wait3A_70] : memref<1280x16xf32, #tpu.memory_space<vmem>> -> memref<1248x16xf32, #tpu.memory_space<vmem>>
        %dma_wait3A_72 = arith.constant 0 : i32
        %dma_wait3A_73 = tpu.memref_slice %arg16[%mul3A_60, %dma_wait3A_72] : memref<20000x16xf32, #tpu.memory_space<vmem_shared>> -> memref<1248x16xf32, #tpu.memory_space<vmem_shared>>
        %dma_wait3A_74 = arith.constant 0 : i32
        %dma_wait3A_75 = tpu.memref_slice %arg16[%mul3A_60, %dma_wait3A_74] : memref<20000x16xf32, #tpu.memory_space<vmem_shared>> -> memref<1248x16xf32, #tpu.memory_space<vmem_shared>>
        %dma_wait3A_76 = arith.constant 0 : i32
        %dma_wait3A_77 = arith.constant 0 : i32
        %dma_wait3A_78 = tpu.memref_slice %arg14[%dma_wait3A_76, %dma_wait3A_77] : memref<1280x16xf32, #tpu.memory_space<vmem>> -> memref<1248x16xf32, #tpu.memory_space<vmem>>
        tpu.wait_dma2 semaphore(%run_scoped3A : memref<!tpu.dma_semaphore, #tpu.memory_space<semaphore_mem>>) src(%dma_wait3A_78 : memref<1248x16xf32, #tpu.memory_space<vmem>>) dst(%dma_wait3A_75 : memref<1248x16xf32, #tpu.memory_space<vmem_shared>>)
        tpu.yield
      }) : () -> ()
    } else {
    }
    %convert_element_type3A_36 = arith.extui %eq3A_2 : i1 to i32
    %cond3A_37 = arith.constant 0 : i32
    %cond3A_38 = arith.cmpi ne, %convert_element_type3A_36, %cond3A_37 : i32
    scf.if %cond3A_38 {
      "tpu.region"() ({
        %run_scoped3A = tpu.sem_alloc : memref<!tpu.dma_semaphore, #tpu.memory_space<semaphore_mem>>
        %dma_start3A = arith.constant 18720 : i32
        %dma_start3A_59 = arith.constant 0 : i32
        %dma_start3A_60 = tpu.memref_slice %arg16[%dma_start3A, %dma_start3A_59] : memref<20000x16xf32, #tpu.memory_space<vmem_shared>> -> memref<1280x16xf32, #tpu.memory_space<vmem_shared>>
        %dma_start3A_61 = arith.constant 18720 : i32
        %dma_start3A_62 = arith.constant 0 : i32
        %dma_start3A_63 = tpu.memref_slice %arg16[%dma_start3A_61, %dma_start3A_62] : memref<20000x16xf32, #tpu.memory_space<vmem_shared>> -> memref<1280x16xf32, #tpu.memory_space<vmem_shared>>
        tpu.enqueue_dma source(%arg14 : memref<1280x16xf32, #tpu.memory_space<vmem>>) target(%dma_start3A_63 : memref<1280x16xf32, #tpu.memory_space<vmem_shared>>) target_semaphore(%run_scoped3A : memref<!tpu.dma_semaphore, #tpu.memory_space<semaphore_mem>>)
        %dma_wait3A = arith.constant 18720 : i32
        %dma_wait3A_64 = arith.constant 0 : i32
        %dma_wait3A_65 = tpu.memref_slice %arg16[%dma_wait3A, %dma_wait3A_64] : memref<20000x16xf32, #tpu.memory_space<vmem_shared>> -> memref<1280x16xf32, #tpu.memory_space<vmem_shared>>
        %dma_wait3A_66 = arith.constant 18720 : i32
        %dma_wait3A_67 = arith.constant 0 : i32
        %dma_wait3A_68 = tpu.memref_slice %arg16[%dma_wait3A_66, %dma_wait3A_67] : memref<20000x16xf32, #tpu.memory_space<vmem_shared>> -> memref<1280x16xf32, #tpu.memory_space<vmem_shared>>
        tpu.wait_dma2 semaphore(%run_scoped3A : memref<!tpu.dma_semaphore, #tpu.memory_space<semaphore_mem>>) src(%arg14 : memref<1280x16xf32, #tpu.memory_space<vmem>>) dst(%dma_wait3A_68 : memref<1280x16xf32, #tpu.memory_space<vmem_shared>>)
        tpu.yield
      }) : () -> ()
    } else {
    }
    %barrier3A = arith.constant 0 : index
    tpu.barrier barrier_id(%barrier3A)
    %scan3A_39 = arith.constant 0 : i32
    %scan3A_40 = arith.constant 0 : i32
    %scan3A_41 = arith.constant 125 : i32
    %scan3A_42 = arith.addi %scan3A_40, %scan3A_41 : i32
    %scan3A_43 = arith.constant 1 : i32
    scf.for %scan3A_59 = %scan3A_40 to %scan3A_42 step %scan3A_43  : i32 {
      %mul3A_60 = arith.constant 10000 : i32
      %mul3A_61 = arith.muli %add3A, %mul3A_60 : i32
      %mul3A_62 = arith.constant 80 : i32
      %mul3A_63 = arith.muli %scan3A_59, %mul3A_62 : i32
      %add3A_64 = arith.addi %mul3A_61, %mul3A_63 : i32
      "tpu.region"() ({
        %run_scoped3A = tpu.sem_alloc : memref<!tpu.dma_semaphore, #tpu.memory_space<semaphore_mem>>
        %dma_start3A_81 = tpu.memref_slice %arg2[%add3A_64] : memref<320000xi32, #tpu.memory_space<hbm>> -> memref<80xi32, #tpu.memory_space<hbm>>
        %dma_start3A_82 = tpu.memref_slice %arg2[%add3A_64] : memref<320000xi32, #tpu.memory_space<hbm>> -> memref<80xi32, #tpu.memory_space<hbm>>
        tpu.enqueue_dma source(%dma_start3A_82 : memref<80xi32, #tpu.memory_space<hbm>>) target(%arg8 : memref<80xi32, #tpu.memory_space<vmem>>) target_semaphore(%run_scoped3A : memref<!tpu.dma_semaphore, #tpu.memory_space<semaphore_mem>>)
        %dma_wait3A_83 = tpu.memref_slice %arg2[%add3A_64] : memref<320000xi32, #tpu.memory_space<hbm>> -> memref<80xi32, #tpu.memory_space<hbm>>
        %dma_wait3A_84 = tpu.memref_slice %arg2[%add3A_64] : memref<320000xi32, #tpu.memory_space<hbm>> -> memref<80xi32, #tpu.memory_space<hbm>>
        tpu.wait_dma2 semaphore(%run_scoped3A : memref<!tpu.dma_semaphore, #tpu.memory_space<semaphore_mem>>) src(%dma_wait3A_84 : memref<80xi32, #tpu.memory_space<hbm>>) dst(%arg8 : memref<80xi32, #tpu.memory_space<vmem>>)
        tpu.yield
      }) : () -> ()
      "tpu.region"() ({
        %run_scoped3A = tpu.sem_alloc : memref<!tpu.dma_semaphore, #tpu.memory_space<semaphore_mem>>
        %dma_start3A_81 = tpu.memref_slice %arg3[%add3A_64] : memref<320000xi32, #tpu.memory_space<hbm>> -> memref<80xi32, #tpu.memory_space<hbm>>
        %dma_start3A_82 = tpu.memref_slice %arg3[%add3A_64] : memref<320000xi32, #tpu.memory_space<hbm>> -> memref<80xi32, #tpu.memory_space<hbm>>
        tpu.enqueue_dma source(%dma_start3A_82 : memref<80xi32, #tpu.memory_space<hbm>>) target(%arg9 : memref<80xi32, #tpu.memory_space<vmem>>) target_semaphore(%run_scoped3A : memref<!tpu.dma_semaphore, #tpu.memory_space<semaphore_mem>>)
        %dma_wait3A_83 = tpu.memref_slice %arg3[%add3A_64] : memref<320000xi32, #tpu.memory_space<hbm>> -> memref<80xi32, #tpu.memory_space<hbm>>
        %dma_wait3A_84 = tpu.memref_slice %arg3[%add3A_64] : memref<320000xi32, #tpu.memory_space<hbm>> -> memref<80xi32, #tpu.memory_space<hbm>>
        tpu.wait_dma2 semaphore(%run_scoped3A : memref<!tpu.dma_semaphore, #tpu.memory_space<semaphore_mem>>) src(%dma_wait3A_84 : memref<80xi32, #tpu.memory_space<hbm>>) dst(%arg9 : memref<80xi32, #tpu.memory_space<vmem>>)
        tpu.yield
      }) : () -> ()
      %dma_start3A = arith.constant 0 : i32
      %dma_start3A_65 = arith.constant 0 : i32
      %dma_start3A_66 = tpu.memref_slice %arg4[%dma_start3A, %dma_start3A_65] : memref<20000x32xf32, #tpu.memory_space<hbm>> -> memref<20000x32xf32, #tpu.memory_space<hbm>>
      tpu.enqueue_indirect_dma source(%dma_start3A_66 : memref<20000x32xf32, #tpu.memory_space<hbm>>) target(%arg10 : memref<80x32xf32, #tpu.memory_space<vmem>>) offsets(%arg8 : memref<80xi32, #tpu.memory_space<vmem>>) semaphore(%arg17 : memref<!tpu.dma_semaphore, #tpu.memory_space<semaphore_mem>>)
      %dma_start3A_67 = arith.constant 0 : i32
      %dma_start3A_68 = arith.constant 0 : i32
      %dma_start3A_69 = tpu.memref_slice %arg5[%dma_start3A_67, %dma_start3A_68] : memref<20000x32xf32, #tpu.memory_space<hbm>> -> memref<20000x32xf32, #tpu.memory_space<hbm>>
      tpu.enqueue_indirect_dma source(%dma_start3A_69 : memref<20000x32xf32, #tpu.memory_space<hbm>>) target(%arg11 : memref<80x32xf32, #tpu.memory_space<vmem>>) offsets(%arg9 : memref<80xi32, #tpu.memory_space<vmem>>) semaphore(%arg18 : memref<!tpu.dma_semaphore, #tpu.memory_space<semaphore_mem>>)
      %dma_wait3A = arith.constant 0 : i32
      %dma_wait3A_70 = arith.constant 0 : i32
      %dma_wait3A_71 = tpu.memref_slice %arg4[%dma_wait3A, %dma_wait3A_70] : memref<20000x32xf32, #tpu.memory_space<hbm>> -> memref<20000x32xf32, #tpu.memory_space<hbm>>
      tpu.wait_indirect_dma semaphore(%arg17 : memref<!tpu.dma_semaphore, #tpu.memory_space<semaphore_mem>>) src(%dma_wait3A_71 : memref<20000x32xf32, #tpu.memory_space<hbm>>) dst(%arg10 : memref<80x32xf32, #tpu.memory_space<vmem>>)
      %dma_wait3A_72 = arith.constant 0 : i32
      %dma_wait3A_73 = arith.constant 0 : i32
      %dma_wait3A_74 = tpu.memref_slice %arg5[%dma_wait3A_72, %dma_wait3A_73] : memref<20000x32xf32, #tpu.memory_space<hbm>> -> memref<20000x32xf32, #tpu.memory_space<hbm>>
      tpu.wait_indirect_dma semaphore(%arg18 : memref<!tpu.dma_semaphore, #tpu.memory_space<semaphore_mem>>) src(%dma_wait3A_74 : memref<20000x32xf32, #tpu.memory_space<hbm>>) dst(%arg11 : memref<80x32xf32, #tpu.memory_space<vmem>>)
      %scan3A_75 = arith.constant 0 : i32
      %scan3A_76 = arith.constant 0 : i32
      %scan3A_77 = arith.constant 80 : i32
      %scan3A_78 = arith.addi %scan3A_76, %scan3A_77 : i32
      %scan3A_79 = arith.constant 1 : i32
      scf.for %scan3A_81 = %scan3A_76 to %scan3A_78 step %scan3A_79  : i32 {
        %get3A = arith.index_cast %scan3A_81 : i32 to index
        %get3A_82 = arith.constant 0 : index
        %get3A_83 = tpu.vector_load %arg10[%get3A, %get3A_82] {strides = array<i32>} : memref<80x32xf32, #tpu.memory_space<vmem>>, vector<1x16xf32>,
        %get3A_84 = vector.shape_cast %get3A_83 : vector<1x16xf32> to vector<16xf32>
        %get3A_85 = arith.index_cast %scan3A_81 : i32 to index
        %get3A_86 = arith.constant 0 : index
        %get3A_87 = tpu.vector_load %arg11[%get3A_85, %get3A_86] {strides = array<i32>} : memref<80x32xf32, #tpu.memory_space<vmem>>, vector<1x16xf32>,
        %get3A_88 = vector.shape_cast %get3A_87 : vector<1x16xf32> to vector<16xf32>
        %add3A_89 = arith.addf %get3A_84, %get3A_88 : vector<16xf32>
        %max3A = arith.constant 0.000000e+00 : f32
        %max3A_90 = vector.broadcast %max3A : f32 to vector<16xf32>
        %max3A_91 = arith.maximumf %add3A_89, %max3A_90 : vector<16xf32>
        %swap3A = arith.index_cast %scan3A_81 : i32 to index
        %swap3A_92 = arith.constant 0 : index
        %swap3A_93 = tpu.vector_load %arg11[%swap3A, %swap3A_92] {strides = array<i32>} : memref<80x32xf32, #tpu.memory_space<vmem>>, vector<1x16xf32>,
        %swap3A_94 = vector.shape_cast %swap3A_93 : vector<1x16xf32> to vector<16xf32>
        %swap3A_95 = vector.shape_cast %max3A_91 : vector<16xf32> to vector<1x16xf32>
        tpu.vector_store %arg11[%swap3A, %swap3A_92], %swap3A_95 {strides = array<i32>} : memref<80x32xf32, #tpu.memory_space<vmem>>, vector<1x16xf32>,
        %get3A_96 = arith.index_cast %scan3A_81 : i32 to index
        %get3A_97 = arith.constant 16 : index
        %get3A_98 = tpu.vector_load %arg10[%get3A_96, %get3A_97] {strides = array<i32>} : memref<80x32xf32, #tpu.memory_space<vmem>>, vector<1x16xf32>,
        %get3A_99 = vector.shape_cast %get3A_98 : vector<1x16xf32> to vector<16xf32>
        %get3A_100 = arith.index_cast %scan3A_81 : i32 to index
        %get3A_101 = arith.constant 16 : index
        %get3A_102 = tpu.vector_load %arg11[%get3A_100, %get3A_101] {strides = array<i32>} : memref<80x32xf32, #tpu.memory_space<vmem>>, vector<1x16xf32>,
        %get3A_103 = vector.shape_cast %get3A_102 : vector<1x16xf32> to vector<16xf32>
        %add3A_104 = arith.addf %get3A_99, %get3A_103 : vector<16xf32>
        %max3A_105 = arith.constant 0.000000e+00 : f32
        %max3A_106 = vector.broadcast %max3A_105 : f32 to vector<16xf32>
        %max3A_107 = arith.maximumf %add3A_104, %max3A_106 : vector<16xf32>
        %swap3A_108 = arith.index_cast %scan3A_81 : i32 to index
        %swap3A_109 = arith.constant 16 : index
        %swap3A_110 = tpu.vector_load %arg11[%swap3A_108, %swap3A_109] {strides = array<i32>} : memref<80x32xf32, #tpu.memory_space<vmem>>, vector<1x16xf32>,
        %swap3A_111 = vector.shape_cast %swap3A_110 : vector<1x16xf32> to vector<16xf32>
        %swap3A_112 = vector.shape_cast %max3A_107 : vector<16xf32> to vector<1x16xf32>
        tpu.vector_store %arg11[%swap3A_108, %swap3A_109], %swap3A_112 {strides = array<i32>} : memref<80x32xf32, #tpu.memory_space<vmem>>, vector<1x16xf32>,
      }
      %scan3A_80 = arith.constant 80 : i32
      "tpu.region"() ({
        %run_scoped3A = tpu.sem_alloc : memref<!tpu.dma_semaphore, #tpu.memory_space<semaphore_mem>>
        %dma_start3A_81 = arith.constant 0 : i32
        %dma_start3A_82 = arith.constant 0 : i32
        %dma_start3A_83 = tpu.memref_slice %arg15[%dma_start3A_81, %dma_start3A_82] : memref<20000x32xf32, #tpu.memory_space<vmem_shared>> -> memref<20000x32xf32, #tpu.memory_space<vmem_shared>>
        tpu.enqueue_indirect_dma source(%arg11 : memref<80x32xf32, #tpu.memory_space<vmem>>) target(%dma_start3A_83 : memref<20000x32xf32, #tpu.memory_space<vmem_shared>>) offsets(%arg9 : memref<80xi32, #tpu.memory_space<vmem>>) semaphore(%run_scoped3A : memref<!tpu.dma_semaphore, #tpu.memory_space<semaphore_mem>>) {add = true}
        %dma_wait3A_84 = arith.constant 0 : i32
        %dma_wait3A_85 = arith.constant 0 : i32
        %dma_wait3A_86 = tpu.memref_slice %arg15[%dma_wait3A_84, %dma_wait3A_85] : memref<20000x32xf32, #tpu.memory_space<vmem_shared>> -> memref<20000x32xf32, #tpu.memory_space<vmem_shared>>
        tpu.wait_indirect_dma semaphore(%run_scoped3A : memref<!tpu.dma_semaphore, #tpu.memory_space<semaphore_mem>>) src(%arg11 : memref<80x32xf32, #tpu.memory_space<vmem>>) dst(%dma_wait3A_86 : memref<20000x32xf32, #tpu.memory_space<vmem_shared>>)
        tpu.yield
      }) : () -> ()
      "tpu.region"() ({
        %run_scoped3A = tpu.sem_alloc : memref<!tpu.dma_semaphore, #tpu.memory_space<semaphore_mem>>
        %dma_start3A_81 = arith.constant 0 : i32
        %dma_start3A_82 = arith.constant 0 : i32
        %dma_start3A_83 = tpu.memref_slice %arg16[%dma_start3A_81, %dma_start3A_82] : memref<20000x16xf32, #tpu.memory_space<vmem_shared>> -> memref<20000x16xf32, #tpu.memory_space<vmem_shared>>
        tpu.enqueue_indirect_dma source(%arg13 : memref<80x16xf32, #tpu.memory_space<vmem>>) target(%dma_start3A_83 : memref<20000x16xf32, #tpu.memory_space<vmem_shared>>) offsets(%arg9 : memref<80xi32, #tpu.memory_space<vmem>>) semaphore(%run_scoped3A : memref<!tpu.dma_semaphore, #tpu.memory_space<semaphore_mem>>) {add = true}
        %dma_wait3A_84 = arith.constant 0 : i32
        %dma_wait3A_85 = arith.constant 0 : i32
        %dma_wait3A_86 = tpu.memref_slice %arg16[%dma_wait3A_84, %dma_wait3A_85] : memref<20000x16xf32, #tpu.memory_space<vmem_shared>> -> memref<20000x16xf32, #tpu.memory_space<vmem_shared>>
        tpu.wait_indirect_dma semaphore(%run_scoped3A : memref<!tpu.dma_semaphore, #tpu.memory_space<semaphore_mem>>) src(%arg13 : memref<80x16xf32, #tpu.memory_space<vmem>>) dst(%dma_wait3A_86 : memref<20000x16xf32, #tpu.memory_space<vmem_shared>>)
        tpu.yield
      }) : () -> ()
    }
    %scan3A_44 = arith.constant 125 : i32
    %barrier3A_45 = arith.constant 0 : index
    tpu.barrier barrier_id(%barrier3A_45)
    %mul3A_46 = arith.constant 20000 : i32
    %mul3A_47 = arith.muli %arg0, %mul3A_46 : i32
    %mul3A_48 = arith.constant 1248 : i32
    %mul3A_49 = arith.muli %arg1, %mul3A_48 : i32
    %add3A_50 = arith.addi %mul3A_47, %mul3A_49 : i32
    %not3A_51 = arith.constant true
    %not3A_52 = arith.xori %eq3A_2, %not3A_51 : i1
    %convert_element_type3A_53 = arith.extui %not3A_52 : i1 to i32
    %cond3A_54 = arith.constant 0 : i32
    %cond3A_55 = arith.cmpi ne, %convert_element_type3A_53, %cond3A_54 : i32
    scf.if %cond3A_55 {
      %mul3A_59 = arith.constant 1248 : i32
      %mul3A_60 = arith.muli %arg1, %mul3A_59 : i32
      "tpu.region"() ({
        %run_scoped3A = tpu.sem_alloc : memref<!tpu.dma_semaphore, #tpu.memory_space<semaphore_mem>>
        %dma_start3A = arith.constant 0 : i32
        %dma_start3A_63 = tpu.memref_slice %arg6[%add3A_50, %dma_start3A] : memref<40000x32xf32, #tpu.memory_space<hbm>> -> memref<1248x32xf32, #tpu.memory_space<hbm>>
        %dma_start3A_64 = arith.constant 0 : i32
        %dma_start3A_65 = tpu.memref_slice %arg15[%mul3A_60, %dma_start3A_64] : memref<20000x32xf32, #tpu.memory_space<vmem_shared>> -> memref<1248x32xf32, #tpu.memory_space<vmem_shared>>
        tpu.enqueue_dma source(%dma_start3A_65 : memref<1248x32xf32, #tpu.memory_space<vmem_shared>>) target(%dma_start3A_63 : memref<1248x32xf32, #tpu.memory_space<hbm>>) target_semaphore(%run_scoped3A : memref<!tpu.dma_semaphore, #tpu.memory_space<semaphore_mem>>)
        %dma_wait3A = arith.constant 0 : i32
        %dma_wait3A_66 = tpu.memref_slice %arg6[%add3A_50, %dma_wait3A] : memref<40000x32xf32, #tpu.memory_space<hbm>> -> memref<1248x32xf32, #tpu.memory_space<hbm>>
        %dma_wait3A_67 = arith.constant 0 : i32
        %dma_wait3A_68 = tpu.memref_slice %arg15[%mul3A_60, %dma_wait3A_67] : memref<20000x32xf32, #tpu.memory_space<vmem_shared>> -> memref<1248x32xf32, #tpu.memory_space<vmem_shared>>
        tpu.wait_dma2 semaphore(%run_scoped3A : memref<!tpu.dma_semaphore, #tpu.memory_space<semaphore_mem>>) src(%dma_wait3A_68 : memref<1248x32xf32, #tpu.memory_space<vmem_shared>>) dst(%dma_wait3A_66 : memref<1248x32xf32, #tpu.memory_space<hbm>>)
        tpu.yield
      }) : () -> ()
      %mul3A_61 = arith.constant 1248 : i32
      %mul3A_62 = arith.muli %arg1, %mul3A_61 : i32
      "tpu.region"() ({
        %run_scoped3A = tpu.sem_alloc : memref<!tpu.dma_semaphore, #tpu.memory_space<semaphore_mem>>
        %dma_start3A = arith.constant 0 : i32
        %dma_start3A_63 = tpu.memref_slice %arg7[%add3A_50, %dma_start3A] : memref<40000x16xf32, #tpu.memory_space<hbm>> -> memref<1248x16xf32, #tpu.memory_space<hbm>>
        %dma_start3A_64 = arith.constant 0 : i32
        %dma_start3A_65 = tpu.memref_slice %arg16[%mul3A_62, %dma_start3A_64] : memref<20000x16xf32, #tpu.memory_space<vmem_shared>> -> memref<1248x16xf32, #tpu.memory_space<vmem_shared>>
        tpu.enqueue_dma source(%dma_start3A_65 : memref<1248x16xf32, #tpu.memory_space<vmem_shared>>) target(%dma_start3A_63 : memref<1248x16xf32, #tpu.memory_space<hbm>>) target_semaphore(%run_scoped3A : memref<!tpu.dma_semaphore, #tpu.memory_space<semaphore_mem>>)
        %dma_wait3A = arith.constant 0 : i32
        %dma_wait3A_66 = tpu.memref_slice %arg7[%add3A_50, %dma_wait3A] : memref<40000x16xf32, #tpu.memory_space<hbm>> -> memref<1248x16xf32, #tpu.memory_space<hbm>>
        %dma_wait3A_67 = arith.constant 0 : i32
        %dma_wait3A_68 = tpu.memref_slice %arg16[%mul3A_62, %dma_wait3A_67] : memref<20000x16xf32, #tpu.memory_space<vmem_shared>> -> memref<1248x16xf32, #tpu.memory_space<vmem_shared>>
        tpu.wait_dma2 semaphore(%run_scoped3A : memref<!tpu.dma_semaphore, #tpu.memory_space<semaphore_mem>>) src(%dma_wait3A_68 : memref<1248x16xf32, #tpu.memory_space<vmem_shared>>) dst(%dma_wait3A_66 : memref<1248x16xf32, #tpu.memory_space<hbm>>)
        tpu.yield
      }) : () -> ()
    } else {
    }
    %convert_element_type3A_56 = arith.extui %eq3A_2 : i1 to i32
    %cond3A_57 = arith.constant 0 : i32
    %cond3A_58 = arith.cmpi ne, %convert_element_type3A_56, %cond3A_57 : i32
    scf.if %cond3A_58 {
      "tpu.region"() ({
        %run_scoped3A = tpu.sem_alloc : memref<!tpu.dma_semaphore, #tpu.memory_space<semaphore_mem>>
        %dma_start3A = arith.constant 0 : i32
        %dma_start3A_59 = tpu.memref_slice %arg6[%add3A_50, %dma_start3A] : memref<40000x32xf32, #tpu.memory_space<hbm>> -> memref<1280x32xf32, #tpu.memory_space<hbm>>
        %dma_start3A_60 = arith.constant 18720 : i32
        %dma_start3A_61 = arith.constant 0 : i32
        %dma_start3A_62 = tpu.memref_slice %arg15[%dma_start3A_60, %dma_start3A_61] : memref<20000x32xf32, #tpu.memory_space<vmem_shared>> -> memref<1280x32xf32, #tpu.memory_space<vmem_shared>>
        tpu.enqueue_dma source(%dma_start3A_62 : memref<1280x32xf32, #tpu.memory_space<vmem_shared>>) target(%dma_start3A_59 : memref<1280x32xf32, #tpu.memory_space<hbm>>) target_semaphore(%run_scoped3A : memref<!tpu.dma_semaphore, #tpu.memory_space<semaphore_mem>>)
        %dma_wait3A = arith.constant 0 : i32
        %dma_wait3A_63 = tpu.memref_slice %arg6[%add3A_50, %dma_wait3A] : memref<40000x32xf32, #tpu.memory_space<hbm>> -> memref<1280x32xf32, #tpu.memory_space<hbm>>
        %dma_wait3A_64 = arith.constant 18720 : i32
        %dma_wait3A_65 = arith.constant 0 : i32
        %dma_wait3A_66 = tpu.memref_slice %arg15[%dma_wait3A_64, %dma_wait3A_65] : memref<20000x32xf32, #tpu.memory_space<vmem_shared>> -> memref<1280x32xf32, #tpu.memory_space<vmem_shared>>
        tpu.wait_dma2 semaphore(%run_scoped3A : memref<!tpu.dma_semaphore, #tpu.memory_space<semaphore_mem>>) src(%dma_wait3A_66 : memref<1280x32xf32, #tpu.memory_space<vmem_shared>>) dst(%dma_wait3A_63 : memref<1280x32xf32, #tpu.memory_space<hbm>>)
        tpu.yield
      }) : () -> ()
      "tpu.region"() ({
        %run_scoped3A = tpu.sem_alloc : memref<!tpu.dma_semaphore, #tpu.memory_space<semaphore_mem>>
        %dma_start3A = arith.constant 0 : i32
        %dma_start3A_59 = tpu.memref_slice %arg7[%add3A_50, %dma_start3A] : memref<40000x16xf32, #tpu.memory_space<hbm>> -> memref<1280x16xf32, #tpu.memory_space<hbm>>
        %dma_start3A_60 = arith.constant 18720 : i32
        %dma_start3A_61 = arith.constant 0 : i32
        %dma_start3A_62 = tpu.memref_slice %arg16[%dma_start3A_60, %dma_start3A_61] : memref<20000x16xf32, #tpu.memory_space<vmem_shared>> -> memref<1280x16xf32, #tpu.memory_space<vmem_shared>>
        tpu.enqueue_dma source(%dma_start3A_62 : memref<1280x16xf32, #tpu.memory_space<vmem_shared>>) target(%dma_start3A_59 : memref<1280x16xf32, #tpu.memory_space<hbm>>) target_semaphore(%run_scoped3A : memref<!tpu.dma_semaphore, #tpu.memory_space<semaphore_mem>>)
        %dma_wait3A = arith.constant 0 : i32
        %dma_wait3A_63 = tpu.memref_slice %arg7[%add3A_50, %dma_wait3A] : memref<40000x16xf32, #tpu.memory_space<hbm>> -> memref<1280x16xf32, #tpu.memory_space<hbm>>
        %dma_wait3A_64 = arith.constant 18720 : i32
        %dma_wait3A_65 = arith.constant 0 : i32
        %dma_wait3A_66 = tpu.memref_slice %arg16[%dma_wait3A_64, %dma_wait3A_65] : memref<20000x16xf32, #tpu.memory_space<vmem_shared>> -> memref<1280x16xf32, #tpu.memory_space<vmem_shared>>
        tpu.wait_dma2 semaphore(%run_scoped3A : memref<!tpu.dma_semaphore, #tpu.memory_space<semaphore_mem>>) src(%dma_wait3A_66 : memref<1280x16xf32, #tpu.memory_space<vmem_shared>>) dst(%dma_wait3A_63 : memref<1280x16xf32, #tpu.memory_space<hbm>>)
        tpu.yield
      }) : () -> ()
    } else {
    }
    return
  }
}

#map = affine_map<(d0, d1) -> (0)>
#map1 = affine_map<(d0, d1) -> (0, 0)>
module attributes {stable_mosaic.version = 14 : i64} {
  func.func @_edge_body(%arg0: i32, %arg1: i32, %arg2: memref<320000xi32, #tpu.memory_space<hbm>>, %arg3: memref<320000xi32, #tpu.memory_space<hbm>>, %arg4: memref<20000x32xf32, #tpu.memory_space<hbm>>, %arg5: memref<20000x32xf32, #tpu.memory_space<hbm>>, %arg6: memref<40000x32xf32, #tpu.memory_space<hbm>>, %arg7: memref<80xi32, #tpu.memory_space<vmem>>, %arg8: memref<80xi32, #tpu.memory_space<vmem>>, %arg9: memref<80x32xf32, #tpu.memory_space<vmem>>, %arg10: memref<80x32xf32, #tpu.memory_space<vmem>>, %arg11: memref<1280x32xf32, #tpu.memory_space<vmem>>, %arg12: memref<20000x32xf32, #tpu.memory_space<vmem_shared>>, %arg13: memref<!tpu.dma_semaphore, #tpu.memory_space<semaphore_mem>>, %arg14: memref<!tpu.dma_semaphore, #tpu.memory_space<semaphore_mem>>) attributes {dimension_semantics = [#tpu.dimension_semantics<core_parallel>, #tpu.dimension_semantics<subcore_parallel>], iteration_bounds = array<i64: 2, 16>, scalar_prefetch = 0 : i64, scratch_operands = 8 : i64, tpu.core_type = #tpu.core_type<sc_vector_subcore>, window_params = [{transform_indices = #map}, {transform_indices = #map}, {transform_indices = #map1}, {transform_indices = #map1}, {transform_indices = #map1}]} {
    %mul3A = arith.constant 2 : i32
    %mul3A_0 = arith.muli %arg1, %mul3A : i32
    %add3A = arith.addi %mul3A_0, %arg0 : i32
    %broadcast_in_dim3A = arith.constant 0.000000e+00 : f32
    %broadcast_in_dim3A_1 = vector.broadcast %broadcast_in_dim3A : f32 to vector<16xf32>
    %eq3A = arith.constant 15 : i32
    %eq3A_2 = arith.cmpi eq, %arg1, %eq3A : i32
    %scan3A = arith.constant 0 : i32
    %scan3A_3 = arith.constant 0 : i32
    %scan3A_4 = arith.constant 1280 : i32
    %scan3A_5 = arith.addi %scan3A_3, %scan3A_4 : i32
    %scan3A_6 = arith.constant 1 : i32
    scf.for %scan3A_33 = %scan3A_3 to %scan3A_5 step %scan3A_6  : i32 {
      %swap3A = arith.index_cast %scan3A_33 : i32 to index
      %swap3A_34 = arith.constant 0 : index
      %swap3A_35 = tpu.vector_load %arg11[%swap3A, %swap3A_34] {strides = array<i32>} : memref<1280x32xf32, #tpu.memory_space<vmem>>, vector<1x16xf32>,
      %swap3A_36 = vector.shape_cast %swap3A_35 : vector<1x16xf32> to vector<16xf32>
      %swap3A_37 = vector.shape_cast %broadcast_in_dim3A_1 : vector<16xf32> to vector<1x16xf32>
      tpu.vector_store %arg11[%swap3A, %swap3A_34], %swap3A_37 {strides = array<i32>} : memref<1280x32xf32, #tpu.memory_space<vmem>>, vector<1x16xf32>,
      %swap3A_38 = arith.index_cast %scan3A_33 : i32 to index
      %swap3A_39 = arith.constant 16 : index
      %swap3A_40 = tpu.vector_load %arg11[%swap3A_38, %swap3A_39] {strides = array<i32>} : memref<1280x32xf32, #tpu.memory_space<vmem>>, vector<1x16xf32>,
      %swap3A_41 = vector.shape_cast %swap3A_40 : vector<1x16xf32> to vector<16xf32>
      %swap3A_42 = vector.shape_cast %broadcast_in_dim3A_1 : vector<16xf32> to vector<1x16xf32>
      tpu.vector_store %arg11[%swap3A_38, %swap3A_39], %swap3A_42 {strides = array<i32>} : memref<1280x32xf32, #tpu.memory_space<vmem>>, vector<1x16xf32>,
    }
    %scan3A_7 = arith.constant 1280 : i32
    %not3A = arith.constant true
    %not3A_8 = arith.xori %eq3A_2, %not3A : i1
    %convert_element_type3A = arith.extui %not3A_8 : i1 to i32
    %cond3A = arith.constant 0 : i32
    %cond3A_9 = arith.cmpi ne, %convert_element_type3A, %cond3A : i32
    scf.if %cond3A_9 {
      %mul3A_33 = arith.constant 1248 : i32
      %mul3A_34 = arith.muli %arg1, %mul3A_33 : i32
      "tpu.region"() ({
        %run_scoped3A = tpu.sem_alloc : memref<!tpu.dma_semaphore, #tpu.memory_space<semaphore_mem>>
        %dma_start3A = arith.constant 0 : i32
        %dma_start3A_35 = arith.constant 0 : i32
        %dma_start3A_36 = tpu.memref_slice %arg11[%dma_start3A, %dma_start3A_35] : memref<1280x32xf32, #tpu.memory_space<vmem>> -> memref<1248x32xf32, #tpu.memory_space<vmem>>
        %dma_start3A_37 = arith.constant 0 : i32
        %dma_start3A_38 = tpu.memref_slice %arg12[%mul3A_34, %dma_start3A_37] : memref<20000x32xf32, #tpu.memory_space<vmem_shared>> -> memref<1248x32xf32, #tpu.memory_space<vmem_shared>>
        %dma_start3A_39 = arith.constant 0 : i32
        %dma_start3A_40 = tpu.memref_slice %arg12[%mul3A_34, %dma_start3A_39] : memref<20000x32xf32, #tpu.memory_space<vmem_shared>> -> memref<1248x32xf32, #tpu.memory_space<vmem_shared>>
        %dma_start3A_41 = arith.constant 0 : i32
        %dma_start3A_42 = arith.constant 0 : i32
        %dma_start3A_43 = tpu.memref_slice %arg11[%dma_start3A_41, %dma_start3A_42] : memref<1280x32xf32, #tpu.memory_space<vmem>> -> memref<1248x32xf32, #tpu.memory_space<vmem>>
        tpu.enqueue_dma source(%dma_start3A_43 : memref<1248x32xf32, #tpu.memory_space<vmem>>) target(%dma_start3A_40 : memref<1248x32xf32, #tpu.memory_space<vmem_shared>>) target_semaphore(%run_scoped3A : memref<!tpu.dma_semaphore, #tpu.memory_space<semaphore_mem>>)
        %dma_wait3A = arith.constant 0 : i32
        %dma_wait3A_44 = arith.constant 0 : i32
        %dma_wait3A_45 = tpu.memref_slice %arg11[%dma_wait3A, %dma_wait3A_44] : memref<1280x32xf32, #tpu.memory_space<vmem>> -> memref<1248x32xf32, #tpu.memory_space<vmem>>
        %dma_wait3A_46 = arith.constant 0 : i32
        %dma_wait3A_47 = tpu.memref_slice %arg12[%mul3A_34, %dma_wait3A_46] : memref<20000x32xf32, #tpu.memory_space<vmem_shared>> -> memref<1248x32xf32, #tpu.memory_space<vmem_shared>>
        %dma_wait3A_48 = arith.constant 0 : i32
        %dma_wait3A_49 = tpu.memref_slice %arg12[%mul3A_34, %dma_wait3A_48] : memref<20000x32xf32, #tpu.memory_space<vmem_shared>> -> memref<1248x32xf32, #tpu.memory_space<vmem_shared>>
        %dma_wait3A_50 = arith.constant 0 : i32
        %dma_wait3A_51 = arith.constant 0 : i32
        %dma_wait3A_52 = tpu.memref_slice %arg11[%dma_wait3A_50, %dma_wait3A_51] : memref<1280x32xf32, #tpu.memory_space<vmem>> -> memref<1248x32xf32, #tpu.memory_space<vmem>>
        tpu.wait_dma2 semaphore(%run_scoped3A : memref<!tpu.dma_semaphore, #tpu.memory_space<semaphore_mem>>) src(%dma_wait3A_52 : memref<1248x32xf32, #tpu.memory_space<vmem>>) dst(%dma_wait3A_49 : memref<1248x32xf32, #tpu.memory_space<vmem_shared>>)
        tpu.yield
      }) : () -> ()
    } else {
    }
    %convert_element_type3A_10 = arith.extui %eq3A_2 : i1 to i32
    %cond3A_11 = arith.constant 0 : i32
    %cond3A_12 = arith.cmpi ne, %convert_element_type3A_10, %cond3A_11 : i32
    scf.if %cond3A_12 {
      "tpu.region"() ({
        %run_scoped3A = tpu.sem_alloc : memref<!tpu.dma_semaphore, #tpu.memory_space<semaphore_mem>>
        %dma_start3A = arith.constant 18720 : i32
        %dma_start3A_33 = arith.constant 0 : i32
        %dma_start3A_34 = tpu.memref_slice %arg12[%dma_start3A, %dma_start3A_33] : memref<20000x32xf32, #tpu.memory_space<vmem_shared>> -> memref<1280x32xf32, #tpu.memory_space<vmem_shared>>
        %dma_start3A_35 = arith.constant 18720 : i32
        %dma_start3A_36 = arith.constant 0 : i32
        %dma_start3A_37 = tpu.memref_slice %arg12[%dma_start3A_35, %dma_start3A_36] : memref<20000x32xf32, #tpu.memory_space<vmem_shared>> -> memref<1280x32xf32, #tpu.memory_space<vmem_shared>>
        tpu.enqueue_dma source(%arg11 : memref<1280x32xf32, #tpu.memory_space<vmem>>) target(%dma_start3A_37 : memref<1280x32xf32, #tpu.memory_space<vmem_shared>>) target_semaphore(%run_scoped3A : memref<!tpu.dma_semaphore, #tpu.memory_space<semaphore_mem>>)
        %dma_wait3A = arith.constant 18720 : i32
        %dma_wait3A_38 = arith.constant 0 : i32
        %dma_wait3A_39 = tpu.memref_slice %arg12[%dma_wait3A, %dma_wait3A_38] : memref<20000x32xf32, #tpu.memory_space<vmem_shared>> -> memref<1280x32xf32, #tpu.memory_space<vmem_shared>>
        %dma_wait3A_40 = arith.constant 18720 : i32
        %dma_wait3A_41 = arith.constant 0 : i32
        %dma_wait3A_42 = tpu.memref_slice %arg12[%dma_wait3A_40, %dma_wait3A_41] : memref<20000x32xf32, #tpu.memory_space<vmem_shared>> -> memref<1280x32xf32, #tpu.memory_space<vmem_shared>>
        tpu.wait_dma2 semaphore(%run_scoped3A : memref<!tpu.dma_semaphore, #tpu.memory_space<semaphore_mem>>) src(%arg11 : memref<1280x32xf32, #tpu.memory_space<vmem>>) dst(%dma_wait3A_42 : memref<1280x32xf32, #tpu.memory_space<vmem_shared>>)
        tpu.yield
      }) : () -> ()
    } else {
    }
    %barrier3A = arith.constant 0 : index
    tpu.barrier barrier_id(%barrier3A)
    %scan3A_13 = arith.constant 0 : i32
    %scan3A_14 = arith.constant 0 : i32
    %scan3A_15 = arith.constant 125 : i32
    %scan3A_16 = arith.addi %scan3A_14, %scan3A_15 : i32
    %scan3A_17 = arith.constant 1 : i32
    scf.for %scan3A_33 = %scan3A_14 to %scan3A_16 step %scan3A_17  : i32 {
      %mul3A_34 = arith.constant 10000 : i32
      %mul3A_35 = arith.muli %add3A, %mul3A_34 : i32
      %mul3A_36 = arith.constant 80 : i32
      %mul3A_37 = arith.muli %scan3A_33, %mul3A_36 : i32
      %add3A_38 = arith.addi %mul3A_35, %mul3A_37 : i32
      "tpu.region"() ({
        %run_scoped3A = tpu.sem_alloc : memref<!tpu.dma_semaphore, #tpu.memory_space<semaphore_mem>>
        %dma_start3A_55 = tpu.memref_slice %arg2[%add3A_38] : memref<320000xi32, #tpu.memory_space<hbm>> -> memref<80xi32, #tpu.memory_space<hbm>>
        %dma_start3A_56 = tpu.memref_slice %arg2[%add3A_38] : memref<320000xi32, #tpu.memory_space<hbm>> -> memref<80xi32, #tpu.memory_space<hbm>>
        tpu.enqueue_dma source(%dma_start3A_56 : memref<80xi32, #tpu.memory_space<hbm>>) target(%arg7 : memref<80xi32, #tpu.memory_space<vmem>>) target_semaphore(%run_scoped3A : memref<!tpu.dma_semaphore, #tpu.memory_space<semaphore_mem>>)
        %dma_wait3A_57 = tpu.memref_slice %arg2[%add3A_38] : memref<320000xi32, #tpu.memory_space<hbm>> -> memref<80xi32, #tpu.memory_space<hbm>>
        %dma_wait3A_58 = tpu.memref_slice %arg2[%add3A_38] : memref<320000xi32, #tpu.memory_space<hbm>> -> memref<80xi32, #tpu.memory_space<hbm>>
        tpu.wait_dma2 semaphore(%run_scoped3A : memref<!tpu.dma_semaphore, #tpu.memory_space<semaphore_mem>>) src(%dma_wait3A_58 : memref<80xi32, #tpu.memory_space<hbm>>) dst(%arg7 : memref<80xi32, #tpu.memory_space<vmem>>)
        tpu.yield
      }) : () -> ()
      "tpu.region"() ({
        %run_scoped3A = tpu.sem_alloc : memref<!tpu.dma_semaphore, #tpu.memory_space<semaphore_mem>>
        %dma_start3A_55 = tpu.memref_slice %arg3[%add3A_38] : memref<320000xi32, #tpu.memory_space<hbm>> -> memref<80xi32, #tpu.memory_space<hbm>>
        %dma_start3A_56 = tpu.memref_slice %arg3[%add3A_38] : memref<320000xi32, #tpu.memory_space<hbm>> -> memref<80xi32, #tpu.memory_space<hbm>>
        tpu.enqueue_dma source(%dma_start3A_56 : memref<80xi32, #tpu.memory_space<hbm>>) target(%arg8 : memref<80xi32, #tpu.memory_space<vmem>>) target_semaphore(%run_scoped3A : memref<!tpu.dma_semaphore, #tpu.memory_space<semaphore_mem>>)
        %dma_wait3A_57 = tpu.memref_slice %arg3[%add3A_38] : memref<320000xi32, #tpu.memory_space<hbm>> -> memref<80xi32, #tpu.memory_space<hbm>>
        %dma_wait3A_58 = tpu.memref_slice %arg3[%add3A_38] : memref<320000xi32, #tpu.memory_space<hbm>> -> memref<80xi32, #tpu.memory_space<hbm>>
        tpu.wait_dma2 semaphore(%run_scoped3A : memref<!tpu.dma_semaphore, #tpu.memory_space<semaphore_mem>>) src(%dma_wait3A_58 : memref<80xi32, #tpu.memory_space<hbm>>) dst(%arg8 : memref<80xi32, #tpu.memory_space<vmem>>)
        tpu.yield
      }) : () -> ()
      %dma_start3A = arith.constant 0 : i32
      %dma_start3A_39 = arith.constant 0 : i32
      %dma_start3A_40 = tpu.memref_slice %arg4[%dma_start3A, %dma_start3A_39] : memref<20000x32xf32, #tpu.memory_space<hbm>> -> memref<20000x32xf32, #tpu.memory_space<hbm>>
      tpu.enqueue_indirect_dma source(%dma_start3A_40 : memref<20000x32xf32, #tpu.memory_space<hbm>>) target(%arg9 : memref<80x32xf32, #tpu.memory_space<vmem>>) offsets(%arg7 : memref<80xi32, #tpu.memory_space<vmem>>) semaphore(%arg13 : memref<!tpu.dma_semaphore, #tpu.memory_space<semaphore_mem>>)
      %dma_start3A_41 = arith.constant 0 : i32
      %dma_start3A_42 = arith.constant 0 : i32
      %dma_start3A_43 = tpu.memref_slice %arg5[%dma_start3A_41, %dma_start3A_42] : memref<20000x32xf32, #tpu.memory_space<hbm>> -> memref<20000x32xf32, #tpu.memory_space<hbm>>
      tpu.enqueue_indirect_dma source(%dma_start3A_43 : memref<20000x32xf32, #tpu.memory_space<hbm>>) target(%arg10 : memref<80x32xf32, #tpu.memory_space<vmem>>) offsets(%arg8 : memref<80xi32, #tpu.memory_space<vmem>>) semaphore(%arg14 : memref<!tpu.dma_semaphore, #tpu.memory_space<semaphore_mem>>)
      %dma_wait3A = arith.constant 0 : i32
      %dma_wait3A_44 = arith.constant 0 : i32
      %dma_wait3A_45 = tpu.memref_slice %arg4[%dma_wait3A, %dma_wait3A_44] : memref<20000x32xf32, #tpu.memory_space<hbm>> -> memref<20000x32xf32, #tpu.memory_space<hbm>>
      tpu.wait_indirect_dma semaphore(%arg13 : memref<!tpu.dma_semaphore, #tpu.memory_space<semaphore_mem>>) src(%dma_wait3A_45 : memref<20000x32xf32, #tpu.memory_space<hbm>>) dst(%arg9 : memref<80x32xf32, #tpu.memory_space<vmem>>)
      %dma_wait3A_46 = arith.constant 0 : i32
      %dma_wait3A_47 = arith.constant 0 : i32
      %dma_wait3A_48 = tpu.memref_slice %arg5[%dma_wait3A_46, %dma_wait3A_47] : memref<20000x32xf32, #tpu.memory_space<hbm>> -> memref<20000x32xf32, #tpu.memory_space<hbm>>
      tpu.wait_indirect_dma semaphore(%arg14 : memref<!tpu.dma_semaphore, #tpu.memory_space<semaphore_mem>>) src(%dma_wait3A_48 : memref<20000x32xf32, #tpu.memory_space<hbm>>) dst(%arg10 : memref<80x32xf32, #tpu.memory_space<vmem>>)
      %scan3A_49 = arith.constant 0 : i32
      %scan3A_50 = arith.constant 0 : i32
      %scan3A_51 = arith.constant 80 : i32
      %scan3A_52 = arith.addi %scan3A_50, %scan3A_51 : i32
      %scan3A_53 = arith.constant 1 : i32
      scf.for %scan3A_55 = %scan3A_50 to %scan3A_52 step %scan3A_53  : i32 {
        %get3A = arith.index_cast %scan3A_55 : i32 to index
        %get3A_56 = arith.constant 0 : index
        %get3A_57 = tpu.vector_load %arg9[%get3A, %get3A_56] {strides = array<i32>} : memref<80x32xf32, #tpu.memory_space<vmem>>, vector<1x16xf32>,
        %get3A_58 = vector.shape_cast %get3A_57 : vector<1x16xf32> to vector<16xf32>
        %get3A_59 = arith.index_cast %scan3A_55 : i32 to index
        %get3A_60 = arith.constant 0 : index
        %get3A_61 = tpu.vector_load %arg10[%get3A_59, %get3A_60] {strides = array<i32>} : memref<80x32xf32, #tpu.memory_space<vmem>>, vector<1x16xf32>,
        %get3A_62 = vector.shape_cast %get3A_61 : vector<1x16xf32> to vector<16xf32>
        %add3A_63 = arith.addf %get3A_58, %get3A_62 : vector<16xf32>
        %max3A = arith.constant 0.000000e+00 : f32
        %max3A_64 = vector.broadcast %max3A : f32 to vector<16xf32>
        %max3A_65 = arith.maximumf %add3A_63, %max3A_64 : vector<16xf32>
        %swap3A = arith.index_cast %scan3A_55 : i32 to index
        %swap3A_66 = arith.constant 0 : index
        %swap3A_67 = tpu.vector_load %arg10[%swap3A, %swap3A_66] {strides = array<i32>} : memref<80x32xf32, #tpu.memory_space<vmem>>, vector<1x16xf32>,
        %swap3A_68 = vector.shape_cast %swap3A_67 : vector<1x16xf32> to vector<16xf32>
        %swap3A_69 = vector.shape_cast %max3A_65 : vector<16xf32> to vector<1x16xf32>
        tpu.vector_store %arg10[%swap3A, %swap3A_66], %swap3A_69 {strides = array<i32>} : memref<80x32xf32, #tpu.memory_space<vmem>>, vector<1x16xf32>,
        %get3A_70 = arith.index_cast %scan3A_55 : i32 to index
        %get3A_71 = arith.constant 16 : index
        %get3A_72 = tpu.vector_load %arg9[%get3A_70, %get3A_71] {strides = array<i32>} : memref<80x32xf32, #tpu.memory_space<vmem>>, vector<1x16xf32>,
        %get3A_73 = vector.shape_cast %get3A_72 : vector<1x16xf32> to vector<16xf32>
        %get3A_74 = arith.index_cast %scan3A_55 : i32 to index
        %get3A_75 = arith.constant 16 : index
        %get3A_76 = tpu.vector_load %arg10[%get3A_74, %get3A_75] {strides = array<i32>} : memref<80x32xf32, #tpu.memory_space<vmem>>, vector<1x16xf32>,
        %get3A_77 = vector.shape_cast %get3A_76 : vector<1x16xf32> to vector<16xf32>
        %add3A_78 = arith.addf %get3A_73, %get3A_77 : vector<16xf32>
        %max3A_79 = arith.constant 0.000000e+00 : f32
        %max3A_80 = vector.broadcast %max3A_79 : f32 to vector<16xf32>
        %max3A_81 = arith.maximumf %add3A_78, %max3A_80 : vector<16xf32>
        %swap3A_82 = arith.index_cast %scan3A_55 : i32 to index
        %swap3A_83 = arith.constant 16 : index
        %swap3A_84 = tpu.vector_load %arg10[%swap3A_82, %swap3A_83] {strides = array<i32>} : memref<80x32xf32, #tpu.memory_space<vmem>>, vector<1x16xf32>,
        %swap3A_85 = vector.shape_cast %swap3A_84 : vector<1x16xf32> to vector<16xf32>
        %swap3A_86 = vector.shape_cast %max3A_81 : vector<16xf32> to vector<1x16xf32>
        tpu.vector_store %arg10[%swap3A_82, %swap3A_83], %swap3A_86 {strides = array<i32>} : memref<80x32xf32, #tpu.memory_space<vmem>>, vector<1x16xf32>,
      }
      %scan3A_54 = arith.constant 80 : i32
      "tpu.region"() ({
        %run_scoped3A = tpu.sem_alloc : memref<!tpu.dma_semaphore, #tpu.memory_space<semaphore_mem>>
        %dma_start3A_55 = arith.constant 0 : i32
        %dma_start3A_56 = arith.constant 0 : i32
        %dma_start3A_57 = tpu.memref_slice %arg12[%dma_start3A_55, %dma_start3A_56] : memref<20000x32xf32, #tpu.memory_space<vmem_shared>> -> memref<20000x32xf32, #tpu.memory_space<vmem_shared>>
        tpu.enqueue_indirect_dma source(%arg10 : memref<80x32xf32, #tpu.memory_space<vmem>>) target(%dma_start3A_57 : memref<20000x32xf32, #tpu.memory_space<vmem_shared>>) offsets(%arg8 : memref<80xi32, #tpu.memory_space<vmem>>) semaphore(%run_scoped3A : memref<!tpu.dma_semaphore, #tpu.memory_space<semaphore_mem>>) {add = true}
        %dma_wait3A_58 = arith.constant 0 : i32
        %dma_wait3A_59 = arith.constant 0 : i32
        %dma_wait3A_60 = tpu.memref_slice %arg12[%dma_wait3A_58, %dma_wait3A_59] : memref<20000x32xf32, #tpu.memory_space<vmem_shared>> -> memref<20000x32xf32, #tpu.memory_space<vmem_shared>>
        tpu.wait_indirect_dma semaphore(%run_scoped3A : memref<!tpu.dma_semaphore, #tpu.memory_space<semaphore_mem>>) src(%arg10 : memref<80x32xf32, #tpu.memory_space<vmem>>) dst(%dma_wait3A_60 : memref<20000x32xf32, #tpu.memory_space<vmem_shared>>)
        tpu.yield
      }) : () -> ()
    }
    %scan3A_18 = arith.constant 125 : i32
    %barrier3A_19 = arith.constant 0 : index
    tpu.barrier barrier_id(%barrier3A_19)
    %mul3A_20 = arith.constant 20000 : i32
    %mul3A_21 = arith.muli %arg0, %mul3A_20 : i32
    %mul3A_22 = arith.constant 1248 : i32
    %mul3A_23 = arith.muli %arg1, %mul3A_22 : i32
    %add3A_24 = arith.addi %mul3A_21, %mul3A_23 : i32
    %not3A_25 = arith.constant true
    %not3A_26 = arith.xori %eq3A_2, %not3A_25 : i1
    %convert_element_type3A_27 = arith.extui %not3A_26 : i1 to i32
    %cond3A_28 = arith.constant 0 : i32
    %cond3A_29 = arith.cmpi ne, %convert_element_type3A_27, %cond3A_28 : i32
    scf.if %cond3A_29 {
      %mul3A_33 = arith.constant 1248 : i32
      %mul3A_34 = arith.muli %arg1, %mul3A_33 : i32
      "tpu.region"() ({
        %run_scoped3A = tpu.sem_alloc : memref<!tpu.dma_semaphore, #tpu.memory_space<semaphore_mem>>
        %dma_start3A = arith.constant 0 : i32
        %dma_start3A_35 = tpu.memref_slice %arg6[%add3A_24, %dma_start3A] : memref<40000x32xf32, #tpu.memory_space<hbm>> -> memref<1248x32xf32, #tpu.memory_space<hbm>>
        %dma_start3A_36 = arith.constant 0 : i32
        %dma_start3A_37 = tpu.memref_slice %arg12[%mul3A_34, %dma_start3A_36] : memref<20000x32xf32, #tpu.memory_space<vmem_shared>> -> memref<1248x32xf32, #tpu.memory_space<vmem_shared>>
        tpu.enqueue_dma source(%dma_start3A_37 : memref<1248x32xf32, #tpu.memory_space<vmem_shared>>) target(%dma_start3A_35 : memref<1248x32xf32, #tpu.memory_space<hbm>>) target_semaphore(%run_scoped3A : memref<!tpu.dma_semaphore, #tpu.memory_space<semaphore_mem>>)
        %dma_wait3A = arith.constant 0 : i32
        %dma_wait3A_38 = tpu.memref_slice %arg6[%add3A_24, %dma_wait3A] : memref<40000x32xf32, #tpu.memory_space<hbm>> -> memref<1248x32xf32, #tpu.memory_space<hbm>>
        %dma_wait3A_39 = arith.constant 0 : i32
        %dma_wait3A_40 = tpu.memref_slice %arg12[%mul3A_34, %dma_wait3A_39] : memref<20000x32xf32, #tpu.memory_space<vmem_shared>> -> memref<1248x32xf32, #tpu.memory_space<vmem_shared>>
        tpu.wait_dma2 semaphore(%run_scoped3A : memref<!tpu.dma_semaphore, #tpu.memory_space<semaphore_mem>>) src(%dma_wait3A_40 : memref<1248x32xf32, #tpu.memory_space<vmem_shared>>) dst(%dma_wait3A_38 : memref<1248x32xf32, #tpu.memory_space<hbm>>)
        tpu.yield
      }) : () -> ()
    } else {
    }
    %convert_element_type3A_30 = arith.extui %eq3A_2 : i1 to i32
    %cond3A_31 = arith.constant 0 : i32
    %cond3A_32 = arith.cmpi ne, %convert_element_type3A_30, %cond3A_31 : i32
    scf.if %cond3A_32 {
      "tpu.region"() ({
        %run_scoped3A = tpu.sem_alloc : memref<!tpu.dma_semaphore, #tpu.memory_space<semaphore_mem>>
        %dma_start3A = arith.constant 0 : i32
        %dma_start3A_33 = tpu.memref_slice %arg6[%add3A_24, %dma_start3A] : memref<40000x32xf32, #tpu.memory_space<hbm>> -> memref<1280x32xf32, #tpu.memory_space<hbm>>
        %dma_start3A_34 = arith.constant 18720 : i32
        %dma_start3A_35 = arith.constant 0 : i32
        %dma_start3A_36 = tpu.memref_slice %arg12[%dma_start3A_34, %dma_start3A_35] : memref<20000x32xf32, #tpu.memory_space<vmem_shared>> -> memref<1280x32xf32, #tpu.memory_space<vmem_shared>>
        tpu.enqueue_dma source(%dma_start3A_36 : memref<1280x32xf32, #tpu.memory_space<vmem_shared>>) target(%dma_start3A_33 : memref<1280x32xf32, #tpu.memory_space<hbm>>) target_semaphore(%run_scoped3A : memref<!tpu.dma_semaphore, #tpu.memory_space<semaphore_mem>>)
        %dma_wait3A = arith.constant 0 : i32
        %dma_wait3A_37 = tpu.memref_slice %arg6[%add3A_24, %dma_wait3A] : memref<40000x32xf32, #tpu.memory_space<hbm>> -> memref<1280x32xf32, #tpu.memory_space<hbm>>
        %dma_wait3A_38 = arith.constant 18720 : i32
        %dma_wait3A_39 = arith.constant 0 : i32
        %dma_wait3A_40 = tpu.memref_slice %arg12[%dma_wait3A_38, %dma_wait3A_39] : memref<20000x32xf32, #tpu.memory_space<vmem_shared>> -> memref<1280x32xf32, #tpu.memory_space<vmem_shared>>
        tpu.wait_dma2 semaphore(%run_scoped3A : memref<!tpu.dma_semaphore, #tpu.memory_space<semaphore_mem>>) src(%dma_wait3A_40 : memref<1280x32xf32, #tpu.memory_space<vmem_shared>>) dst(%dma_wait3A_37 : memref<1280x32xf32, #tpu.memory_space<hbm>>)
        tpu.yield
      }) : () -> ()
    } else {
    }
    return
  }
}

#map = affine_map<(d0, d1) -> (0)>
#map1 = affine_map<(d0, d1) -> (0, 0)>
module attributes {stable_mosaic.version = 14 : i64} {
  func.func @_edge_body(%arg0: i32, %arg1: i32, %arg2: memref<320000xi32, #tpu.memory_space<hbm>>, %arg3: memref<320000xi32, #tpu.memory_space<hbm>>, %arg4: memref<20000x32xf32, #tpu.memory_space<hbm>>, %arg5: memref<20000x32xf32, #tpu.memory_space<hbm>>, %arg6: memref<40000x32xf32, #tpu.memory_space<hbm>>, %arg7: memref<80xi32, #tpu.memory_space<vmem>>, %arg8: memref<80xi32, #tpu.memory_space<vmem>>, %arg9: memref<80x32xf32, #tpu.memory_space<vmem>>, %arg10: memref<80x32xf32, #tpu.memory_space<vmem>>, %arg11: memref<1280x32xf32, #tpu.memory_space<vmem>>, %arg12: memref<20000x32xf32, #tpu.memory_space<vmem_shared>>, %arg13: memref<!tpu.dma_semaphore, #tpu.memory_space<semaphore_mem>>, %arg14: memref<!tpu.dma_semaphore, #tpu.memory_space<semaphore_mem>>) attributes {dimension_semantics = [#tpu.dimension_semantics<core_parallel>, #tpu.dimension_semantics<subcore_parallel>], iteration_bounds = array<i64: 2, 16>, scalar_prefetch = 0 : i64, scratch_operands = 8 : i64, tpu.core_type = #tpu.core_type<sc_vector_subcore>, window_params = [{transform_indices = #map}, {transform_indices = #map}, {transform_indices = #map1}, {transform_indices = #map1}, {transform_indices = #map1}]} {
    %mul3A = arith.constant 2 : i32
    %mul3A_0 = arith.muli %arg1, %mul3A : i32
    %add3A = arith.addi %mul3A_0, %arg0 : i32
    %broadcast_in_dim3A = arith.constant 0.000000e+00 : f32
    %broadcast_in_dim3A_1 = vector.broadcast %broadcast_in_dim3A : f32 to vector<16xf32>
    %eq3A = arith.constant 15 : i32
    %eq3A_2 = arith.cmpi eq, %arg1, %eq3A : i32
    %scan3A = arith.constant 0 : i32
    %scan3A_3 = arith.constant 0 : i32
    %scan3A_4 = arith.constant 1280 : i32
    %scan3A_5 = arith.addi %scan3A_3, %scan3A_4 : i32
    %scan3A_6 = arith.constant 1 : i32
    scf.for %scan3A_33 = %scan3A_3 to %scan3A_5 step %scan3A_6  : i32 {
      %swap3A = arith.index_cast %scan3A_33 : i32 to index
      %swap3A_34 = arith.constant 0 : index
      %swap3A_35 = tpu.vector_load %arg11[%swap3A, %swap3A_34] {strides = array<i32>} : memref<1280x32xf32, #tpu.memory_space<vmem>>, vector<1x16xf32>,
      %swap3A_36 = vector.shape_cast %swap3A_35 : vector<1x16xf32> to vector<16xf32>
      %swap3A_37 = vector.shape_cast %broadcast_in_dim3A_1 : vector<16xf32> to vector<1x16xf32>
      tpu.vector_store %arg11[%swap3A, %swap3A_34], %swap3A_37 {strides = array<i32>} : memref<1280x32xf32, #tpu.memory_space<vmem>>, vector<1x16xf32>,
      %swap3A_38 = arith.index_cast %scan3A_33 : i32 to index
      %swap3A_39 = arith.constant 16 : index
      %swap3A_40 = tpu.vector_load %arg11[%swap3A_38, %swap3A_39] {strides = array<i32>} : memref<1280x32xf32, #tpu.memory_space<vmem>>, vector<1x16xf32>,
      %swap3A_41 = vector.shape_cast %swap3A_40 : vector<1x16xf32> to vector<16xf32>
      %swap3A_42 = vector.shape_cast %broadcast_in_dim3A_1 : vector<16xf32> to vector<1x16xf32>
      tpu.vector_store %arg11[%swap3A_38, %swap3A_39], %swap3A_42 {strides = array<i32>} : memref<1280x32xf32, #tpu.memory_space<vmem>>, vector<1x16xf32>,
    }
    %scan3A_7 = arith.constant 1280 : i32
    %not3A = arith.constant true
    %not3A_8 = arith.xori %eq3A_2, %not3A : i1
    %convert_element_type3A = arith.extui %not3A_8 : i1 to i32
    %cond3A = arith.constant 0 : i32
    %cond3A_9 = arith.cmpi ne, %convert_element_type3A, %cond3A : i32
    scf.if %cond3A_9 {
      %mul3A_33 = arith.constant 1248 : i32
      %mul3A_34 = arith.muli %arg1, %mul3A_33 : i32
      "tpu.region"() ({
        %run_scoped3A = tpu.sem_alloc : memref<!tpu.dma_semaphore, #tpu.memory_space<semaphore_mem>>
        %dma_start3A = arith.constant 0 : i32
        %dma_start3A_35 = arith.constant 0 : i32
        %dma_start3A_36 = tpu.memref_slice %arg11[%dma_start3A, %dma_start3A_35] : memref<1280x32xf32, #tpu.memory_space<vmem>> -> memref<1248x32xf32, #tpu.memory_space<vmem>>
        %dma_start3A_37 = arith.constant 0 : i32
        %dma_start3A_38 = tpu.memref_slice %arg12[%mul3A_34, %dma_start3A_37] : memref<20000x32xf32, #tpu.memory_space<vmem_shared>> -> memref<1248x32xf32, #tpu.memory_space<vmem_shared>>
        %dma_start3A_39 = arith.constant 0 : i32
        %dma_start3A_40 = tpu.memref_slice %arg12[%mul3A_34, %dma_start3A_39] : memref<20000x32xf32, #tpu.memory_space<vmem_shared>> -> memref<1248x32xf32, #tpu.memory_space<vmem_shared>>
        %dma_start3A_41 = arith.constant 0 : i32
        %dma_start3A_42 = arith.constant 0 : i32
        %dma_start3A_43 = tpu.memref_slice %arg11[%dma_start3A_41, %dma_start3A_42] : memref<1280x32xf32, #tpu.memory_space<vmem>> -> memref<1248x32xf32, #tpu.memory_space<vmem>>
        tpu.enqueue_dma source(%dma_start3A_43 : memref<1248x32xf32, #tpu.memory_space<vmem>>) target(%dma_start3A_40 : memref<1248x32xf32, #tpu.memory_space<vmem_shared>>) target_semaphore(%run_scoped3A : memref<!tpu.dma_semaphore, #tpu.memory_space<semaphore_mem>>)
        %dma_wait3A = arith.constant 0 : i32
        %dma_wait3A_44 = arith.constant 0 : i32
        %dma_wait3A_45 = tpu.memref_slice %arg11[%dma_wait3A, %dma_wait3A_44] : memref<1280x32xf32, #tpu.memory_space<vmem>> -> memref<1248x32xf32, #tpu.memory_space<vmem>>
        %dma_wait3A_46 = arith.constant 0 : i32
        %dma_wait3A_47 = tpu.memref_slice %arg12[%mul3A_34, %dma_wait3A_46] : memref<20000x32xf32, #tpu.memory_space<vmem_shared>> -> memref<1248x32xf32, #tpu.memory_space<vmem_shared>>
        %dma_wait3A_48 = arith.constant 0 : i32
        %dma_wait3A_49 = tpu.memref_slice %arg12[%mul3A_34, %dma_wait3A_48] : memref<20000x32xf32, #tpu.memory_space<vmem_shared>> -> memref<1248x32xf32, #tpu.memory_space<vmem_shared>>
        %dma_wait3A_50 = arith.constant 0 : i32
        %dma_wait3A_51 = arith.constant 0 : i32
        %dma_wait3A_52 = tpu.memref_slice %arg11[%dma_wait3A_50, %dma_wait3A_51] : memref<1280x32xf32, #tpu.memory_space<vmem>> -> memref<1248x32xf32, #tpu.memory_space<vmem>>
        tpu.wait_dma2 semaphore(%run_scoped3A : memref<!tpu.dma_semaphore, #tpu.memory_space<semaphore_mem>>) src(%dma_wait3A_52 : memref<1248x32xf32, #tpu.memory_space<vmem>>) dst(%dma_wait3A_49 : memref<1248x32xf32, #tpu.memory_space<vmem_shared>>)
        tpu.yield
      }) : () -> ()
    } else {
    }
    %convert_element_type3A_10 = arith.extui %eq3A_2 : i1 to i32
    %cond3A_11 = arith.constant 0 : i32
    %cond3A_12 = arith.cmpi ne, %convert_element_type3A_10, %cond3A_11 : i32
    scf.if %cond3A_12 {
      "tpu.region"() ({
        %run_scoped3A = tpu.sem_alloc : memref<!tpu.dma_semaphore, #tpu.memory_space<semaphore_mem>>
        %dma_start3A = arith.constant 18720 : i32
        %dma_start3A_33 = arith.constant 0 : i32
        %dma_start3A_34 = tpu.memref_slice %arg12[%dma_start3A, %dma_start3A_33] : memref<20000x32xf32, #tpu.memory_space<vmem_shared>> -> memref<1280x32xf32, #tpu.memory_space<vmem_shared>>
        %dma_start3A_35 = arith.constant 18720 : i32
        %dma_start3A_36 = arith.constant 0 : i32
        %dma_start3A_37 = tpu.memref_slice %arg12[%dma_start3A_35, %dma_start3A_36] : memref<20000x32xf32, #tpu.memory_space<vmem_shared>> -> memref<1280x32xf32, #tpu.memory_space<vmem_shared>>
        tpu.enqueue_dma source(%arg11 : memref<1280x32xf32, #tpu.memory_space<vmem>>) target(%dma_start3A_37 : memref<1280x32xf32, #tpu.memory_space<vmem_shared>>) target_semaphore(%run_scoped3A : memref<!tpu.dma_semaphore, #tpu.memory_space<semaphore_mem>>)
        %dma_wait3A = arith.constant 18720 : i32
        %dma_wait3A_38 = arith.constant 0 : i32
        %dma_wait3A_39 = tpu.memref_slice %arg12[%dma_wait3A, %dma_wait3A_38] : memref<20000x32xf32, #tpu.memory_space<vmem_shared>> -> memref<1280x32xf32, #tpu.memory_space<vmem_shared>>
        %dma_wait3A_40 = arith.constant 18720 : i32
        %dma_wait3A_41 = arith.constant 0 : i32
        %dma_wait3A_42 = tpu.memref_slice %arg12[%dma_wait3A_40, %dma_wait3A_41] : memref<20000x32xf32, #tpu.memory_space<vmem_shared>> -> memref<1280x32xf32, #tpu.memory_space<vmem_shared>>
        tpu.wait_dma2 semaphore(%run_scoped3A : memref<!tpu.dma_semaphore, #tpu.memory_space<semaphore_mem>>) src(%arg11 : memref<1280x32xf32, #tpu.memory_space<vmem>>) dst(%dma_wait3A_42 : memref<1280x32xf32, #tpu.memory_space<vmem_shared>>)
        tpu.yield
      }) : () -> ()
    } else {
    }
    %barrier3A = arith.constant 0 : index
    tpu.barrier barrier_id(%barrier3A)
    %scan3A_13 = arith.constant 0 : i32
    %scan3A_14 = arith.constant 0 : i32
    %scan3A_15 = arith.constant 125 : i32
    %scan3A_16 = arith.addi %scan3A_14, %scan3A_15 : i32
    %scan3A_17 = arith.constant 1 : i32
    scf.for %scan3A_33 = %scan3A_14 to %scan3A_16 step %scan3A_17  : i32 {
      %mul3A_34 = arith.constant 10000 : i32
      %mul3A_35 = arith.muli %add3A, %mul3A_34 : i32
      %mul3A_36 = arith.constant 80 : i32
      %mul3A_37 = arith.muli %scan3A_33, %mul3A_36 : i32
      %add3A_38 = arith.addi %mul3A_35, %mul3A_37 : i32
      "tpu.region"() ({
        %run_scoped3A = tpu.sem_alloc : memref<!tpu.dma_semaphore, #tpu.memory_space<semaphore_mem>>
        %dma_start3A_55 = tpu.memref_slice %arg2[%add3A_38] : memref<320000xi32, #tpu.memory_space<hbm>> -> memref<80xi32, #tpu.memory_space<hbm>>
        %dma_start3A_56 = tpu.memref_slice %arg2[%add3A_38] : memref<320000xi32, #tpu.memory_space<hbm>> -> memref<80xi32, #tpu.memory_space<hbm>>
        tpu.enqueue_dma source(%dma_start3A_56 : memref<80xi32, #tpu.memory_space<hbm>>) target(%arg7 : memref<80xi32, #tpu.memory_space<vmem>>) target_semaphore(%run_scoped3A : memref<!tpu.dma_semaphore, #tpu.memory_space<semaphore_mem>>)
        %dma_wait3A_57 = tpu.memref_slice %arg2[%add3A_38] : memref<320000xi32, #tpu.memory_space<hbm>> -> memref<80xi32, #tpu.memory_space<hbm>>
        %dma_wait3A_58 = tpu.memref_slice %arg2[%add3A_38] : memref<320000xi32, #tpu.memory_space<hbm>> -> memref<80xi32, #tpu.memory_space<hbm>>
        tpu.wait_dma2 semaphore(%run_scoped3A : memref<!tpu.dma_semaphore, #tpu.memory_space<semaphore_mem>>) src(%dma_wait3A_58 : memref<80xi32, #tpu.memory_space<hbm>>) dst(%arg7 : memref<80xi32, #tpu.memory_space<vmem>>)
        tpu.yield
      }) : () -> ()
      "tpu.region"() ({
        %run_scoped3A = tpu.sem_alloc : memref<!tpu.dma_semaphore, #tpu.memory_space<semaphore_mem>>
        %dma_start3A_55 = tpu.memref_slice %arg3[%add3A_38] : memref<320000xi32, #tpu.memory_space<hbm>> -> memref<80xi32, #tpu.memory_space<hbm>>
        %dma_start3A_56 = tpu.memref_slice %arg3[%add3A_38] : memref<320000xi32, #tpu.memory_space<hbm>> -> memref<80xi32, #tpu.memory_space<hbm>>
        tpu.enqueue_dma source(%dma_start3A_56 : memref<80xi32, #tpu.memory_space<hbm>>) target(%arg8 : memref<80xi32, #tpu.memory_space<vmem>>) target_semaphore(%run_scoped3A : memref<!tpu.dma_semaphore, #tpu.memory_space<semaphore_mem>>)
        %dma_wait3A_57 = tpu.memref_slice %arg3[%add3A_38] : memref<320000xi32, #tpu.memory_space<hbm>> -> memref<80xi32, #tpu.memory_space<hbm>>
        %dma_wait3A_58 = tpu.memref_slice %arg3[%add3A_38] : memref<320000xi32, #tpu.memory_space<hbm>> -> memref<80xi32, #tpu.memory_space<hbm>>
        tpu.wait_dma2 semaphore(%run_scoped3A : memref<!tpu.dma_semaphore, #tpu.memory_space<semaphore_mem>>) src(%dma_wait3A_58 : memref<80xi32, #tpu.memory_space<hbm>>) dst(%arg8 : memref<80xi32, #tpu.memory_space<vmem>>)
        tpu.yield
      }) : () -> ()
      %dma_start3A = arith.constant 0 : i32
      %dma_start3A_39 = arith.constant 0 : i32
      %dma_start3A_40 = tpu.memref_slice %arg4[%dma_start3A, %dma_start3A_39] : memref<20000x32xf32, #tpu.memory_space<hbm>> -> memref<20000x32xf32, #tpu.memory_space<hbm>>
      tpu.enqueue_indirect_dma source(%dma_start3A_40 : memref<20000x32xf32, #tpu.memory_space<hbm>>) target(%arg9 : memref<80x32xf32, #tpu.memory_space<vmem>>) offsets(%arg7 : memref<80xi32, #tpu.memory_space<vmem>>) semaphore(%arg13 : memref<!tpu.dma_semaphore, #tpu.memory_space<semaphore_mem>>)
      %dma_start3A_41 = arith.constant 0 : i32
      %dma_start3A_42 = arith.constant 0 : i32
      %dma_start3A_43 = tpu.memref_slice %arg5[%dma_start3A_41, %dma_start3A_42] : memref<20000x32xf32, #tpu.memory_space<hbm>> -> memref<20000x32xf32, #tpu.memory_space<hbm>>
      tpu.enqueue_indirect_dma source(%dma_start3A_43 : memref<20000x32xf32, #tpu.memory_space<hbm>>) target(%arg10 : memref<80x32xf32, #tpu.memory_space<vmem>>) offsets(%arg8 : memref<80xi32, #tpu.memory_space<vmem>>) semaphore(%arg14 : memref<!tpu.dma_semaphore, #tpu.memory_space<semaphore_mem>>)
      %dma_wait3A = arith.constant 0 : i32
      %dma_wait3A_44 = arith.constant 0 : i32
      %dma_wait3A_45 = tpu.memref_slice %arg4[%dma_wait3A, %dma_wait3A_44] : memref<20000x32xf32, #tpu.memory_space<hbm>> -> memref<20000x32xf32, #tpu.memory_space<hbm>>
      tpu.wait_indirect_dma semaphore(%arg13 : memref<!tpu.dma_semaphore, #tpu.memory_space<semaphore_mem>>) src(%dma_wait3A_45 : memref<20000x32xf32, #tpu.memory_space<hbm>>) dst(%arg9 : memref<80x32xf32, #tpu.memory_space<vmem>>)
      %dma_wait3A_46 = arith.constant 0 : i32
      %dma_wait3A_47 = arith.constant 0 : i32
      %dma_wait3A_48 = tpu.memref_slice %arg5[%dma_wait3A_46, %dma_wait3A_47] : memref<20000x32xf32, #tpu.memory_space<hbm>> -> memref<20000x32xf32, #tpu.memory_space<hbm>>
      tpu.wait_indirect_dma semaphore(%arg14 : memref<!tpu.dma_semaphore, #tpu.memory_space<semaphore_mem>>) src(%dma_wait3A_48 : memref<20000x32xf32, #tpu.memory_space<hbm>>) dst(%arg10 : memref<80x32xf32, #tpu.memory_space<vmem>>)
      %scan3A_49 = arith.constant 0 : i32
      %scan3A_50 = arith.constant 0 : i32
      %scan3A_51 = arith.constant 80 : i32
      %scan3A_52 = arith.addi %scan3A_50, %scan3A_51 : i32
      %scan3A_53 = arith.constant 1 : i32
      scf.for %scan3A_55 = %scan3A_50 to %scan3A_52 step %scan3A_53  : i32 {
        %get3A = arith.index_cast %scan3A_55 : i32 to index
        %get3A_56 = arith.constant 0 : index
        %get3A_57 = tpu.vector_load %arg9[%get3A, %get3A_56] {strides = array<i32>} : memref<80x32xf32, #tpu.memory_space<vmem>>, vector<1x16xf32>,
        %get3A_58 = vector.shape_cast %get3A_57 : vector<1x16xf32> to vector<16xf32>
        %get3A_59 = arith.index_cast %scan3A_55 : i32 to index
        %get3A_60 = arith.constant 0 : index
        %get3A_61 = tpu.vector_load %arg10[%get3A_59, %get3A_60] {strides = array<i32>} : memref<80x32xf32, #tpu.memory_space<vmem>>, vector<1x16xf32>,
        %get3A_62 = vector.shape_cast %get3A_61 : vector<1x16xf32> to vector<16xf32>
        %add3A_63 = arith.addf %get3A_58, %get3A_62 : vector<16xf32>
        %max3A = arith.constant 0.000000e+00 : f32
        %max3A_64 = vector.broadcast %max3A : f32 to vector<16xf32>
        %max3A_65 = arith.maximumf %add3A_63, %max3A_64 : vector<16xf32>
        %swap3A = arith.index_cast %scan3A_55 : i32 to index
        %swap3A_66 = arith.constant 0 : index
        %swap3A_67 = tpu.vector_load %arg10[%swap3A, %swap3A_66] {strides = array<i32>} : memref<80x32xf32, #tpu.memory_space<vmem>>, vector<1x16xf32>,
        %swap3A_68 = vector.shape_cast %swap3A_67 : vector<1x16xf32> to vector<16xf32>
        %swap3A_69 = vector.shape_cast %max3A_65 : vector<16xf32> to vector<1x16xf32>
        tpu.vector_store %arg10[%swap3A, %swap3A_66], %swap3A_69 {strides = array<i32>} : memref<80x32xf32, #tpu.memory_space<vmem>>, vector<1x16xf32>,
        %get3A_70 = arith.index_cast %scan3A_55 : i32 to index
        %get3A_71 = arith.constant 16 : index
        %get3A_72 = tpu.vector_load %arg9[%get3A_70, %get3A_71] {strides = array<i32>} : memref<80x32xf32, #tpu.memory_space<vmem>>, vector<1x16xf32>,
        %get3A_73 = vector.shape_cast %get3A_72 : vector<1x16xf32> to vector<16xf32>
        %get3A_74 = arith.index_cast %scan3A_55 : i32 to index
        %get3A_75 = arith.constant 16 : index
        %get3A_76 = tpu.vector_load %arg10[%get3A_74, %get3A_75] {strides = array<i32>} : memref<80x32xf32, #tpu.memory_space<vmem>>, vector<1x16xf32>,
        %get3A_77 = vector.shape_cast %get3A_76 : vector<1x16xf32> to vector<16xf32>
        %add3A_78 = arith.addf %get3A_73, %get3A_77 : vector<16xf32>
        %max3A_79 = arith.constant 0.000000e+00 : f32
        %max3A_80 = vector.broadcast %max3A_79 : f32 to vector<16xf32>
        %max3A_81 = arith.maximumf %add3A_78, %max3A_80 : vector<16xf32>
        %swap3A_82 = arith.index_cast %scan3A_55 : i32 to index
        %swap3A_83 = arith.constant 16 : index
        %swap3A_84 = tpu.vector_load %arg10[%swap3A_82, %swap3A_83] {strides = array<i32>} : memref<80x32xf32, #tpu.memory_space<vmem>>, vector<1x16xf32>,
        %swap3A_85 = vector.shape_cast %swap3A_84 : vector<1x16xf32> to vector<16xf32>
        %swap3A_86 = vector.shape_cast %max3A_81 : vector<16xf32> to vector<1x16xf32>
        tpu.vector_store %arg10[%swap3A_82, %swap3A_83], %swap3A_86 {strides = array<i32>} : memref<80x32xf32, #tpu.memory_space<vmem>>, vector<1x16xf32>,
      }
      %scan3A_54 = arith.constant 80 : i32
      "tpu.region"() ({
        %run_scoped3A = tpu.sem_alloc : memref<!tpu.dma_semaphore, #tpu.memory_space<semaphore_mem>>
        %dma_start3A_55 = arith.constant 0 : i32
        %dma_start3A_56 = arith.constant 0 : i32
        %dma_start3A_57 = tpu.memref_slice %arg12[%dma_start3A_55, %dma_start3A_56] : memref<20000x32xf32, #tpu.memory_space<vmem_shared>> -> memref<20000x32xf32, #tpu.memory_space<vmem_shared>>
        tpu.enqueue_indirect_dma source(%arg10 : memref<80x32xf32, #tpu.memory_space<vmem>>) target(%dma_start3A_57 : memref<20000x32xf32, #tpu.memory_space<vmem_shared>>) offsets(%arg8 : memref<80xi32, #tpu.memory_space<vmem>>) semaphore(%run_scoped3A : memref<!tpu.dma_semaphore, #tpu.memory_space<semaphore_mem>>) {add = true}
        %dma_wait3A_58 = arith.constant 0 : i32
        %dma_wait3A_59 = arith.constant 0 : i32
        %dma_wait3A_60 = tpu.memref_slice %arg12[%dma_wait3A_58, %dma_wait3A_59] : memref<20000x32xf32, #tpu.memory_space<vmem_shared>> -> memref<20000x32xf32, #tpu.memory_space<vmem_shared>>
        tpu.wait_indirect_dma semaphore(%run_scoped3A : memref<!tpu.dma_semaphore, #tpu.memory_space<semaphore_mem>>) src(%arg10 : memref<80x32xf32, #tpu.memory_space<vmem>>) dst(%dma_wait3A_60 : memref<20000x32xf32, #tpu.memory_space<vmem_shared>>)
        tpu.yield
      }) : () -> ()
    }
    %scan3A_18 = arith.constant 125 : i32
    %barrier3A_19 = arith.constant 0 : index
    tpu.barrier barrier_id(%barrier3A_19)
    %mul3A_20 = arith.constant 20000 : i32
    %mul3A_21 = arith.muli %arg0, %mul3A_20 : i32
    %mul3A_22 = arith.constant 1248 : i32
    %mul3A_23 = arith.muli %arg1, %mul3A_22 : i32
    %add3A_24 = arith.addi %mul3A_21, %mul3A_23 : i32
    %not3A_25 = arith.constant true
    %not3A_26 = arith.xori %eq3A_2, %not3A_25 : i1
    %convert_element_type3A_27 = arith.extui %not3A_26 : i1 to i32
    %cond3A_28 = arith.constant 0 : i32
    %cond3A_29 = arith.cmpi ne, %convert_element_type3A_27, %cond3A_28 : i32
    scf.if %cond3A_29 {
      %mul3A_33 = arith.constant 1248 : i32
      %mul3A_34 = arith.muli %arg1, %mul3A_33 : i32
      "tpu.region"() ({
        %run_scoped3A = tpu.sem_alloc : memref<!tpu.dma_semaphore, #tpu.memory_space<semaphore_mem>>
        %dma_start3A = arith.constant 0 : i32
        %dma_start3A_35 = tpu.memref_slice %arg6[%add3A_24, %dma_start3A] : memref<40000x32xf32, #tpu.memory_space<hbm>> -> memref<1248x32xf32, #tpu.memory_space<hbm>>
        %dma_start3A_36 = arith.constant 0 : i32
        %dma_start3A_37 = tpu.memref_slice %arg12[%mul3A_34, %dma_start3A_36] : memref<20000x32xf32, #tpu.memory_space<vmem_shared>> -> memref<1248x32xf32, #tpu.memory_space<vmem_shared>>
        tpu.enqueue_dma source(%dma_start3A_37 : memref<1248x32xf32, #tpu.memory_space<vmem_shared>>) target(%dma_start3A_35 : memref<1248x32xf32, #tpu.memory_space<hbm>>) target_semaphore(%run_scoped3A : memref<!tpu.dma_semaphore, #tpu.memory_space<semaphore_mem>>)
        %dma_wait3A = arith.constant 0 : i32
        %dma_wait3A_38 = tpu.memref_slice %arg6[%add3A_24, %dma_wait3A] : memref<40000x32xf32, #tpu.memory_space<hbm>> -> memref<1248x32xf32, #tpu.memory_space<hbm>>
        %dma_wait3A_39 = arith.constant 0 : i32
        %dma_wait3A_40 = tpu.memref_slice %arg12[%mul3A_34, %dma_wait3A_39] : memref<20000x32xf32, #tpu.memory_space<vmem_shared>> -> memref<1248x32xf32, #tpu.memory_space<vmem_shared>>
        tpu.wait_dma2 semaphore(%run_scoped3A : memref<!tpu.dma_semaphore, #tpu.memory_space<semaphore_mem>>) src(%dma_wait3A_40 : memref<1248x32xf32, #tpu.memory_space<vmem_shared>>) dst(%dma_wait3A_38 : memref<1248x32xf32, #tpu.memory_space<hbm>>)
        tpu.yield
      }) : () -> ()
    } else {
    }
    %convert_element_type3A_30 = arith.extui %eq3A_2 : i1 to i32
    %cond3A_31 = arith.constant 0 : i32
    %cond3A_32 = arith.cmpi ne, %convert_element_type3A_30, %cond3A_31 : i32
    scf.if %cond3A_32 {
      "tpu.region"() ({
        %run_scoped3A = tpu.sem_alloc : memref<!tpu.dma_semaphore, #tpu.memory_space<semaphore_mem>>
        %dma_start3A = arith.constant 0 : i32
        %dma_start3A_33 = tpu.memref_slice %arg6[%add3A_24, %dma_start3A] : memref<40000x32xf32, #tpu.memory_space<hbm>> -> memref<1280x32xf32, #tpu.memory_space<hbm>>
        %dma_start3A_34 = arith.constant 18720 : i32
        %dma_start3A_35 = arith.constant 0 : i32
        %dma_start3A_36 = tpu.memref_slice %arg12[%dma_start3A_34, %dma_start3A_35] : memref<20000x32xf32, #tpu.memory_space<vmem_shared>> -> memref<1280x32xf32, #tpu.memory_space<vmem_shared>>
        tpu.enqueue_dma source(%dma_start3A_36 : memref<1280x32xf32, #tpu.memory_space<vmem_shared>>) target(%dma_start3A_33 : memref<1280x32xf32, #tpu.memory_space<hbm>>) target_semaphore(%run_scoped3A : memref<!tpu.dma_semaphore, #tpu.memory_space<semaphore_mem>>)
        %dma_wait3A = arith.constant 0 : i32
        %dma_wait3A_37 = tpu.memref_slice %arg6[%add3A_24, %dma_wait3A] : memref<40000x32xf32, #tpu.memory_space<hbm>> -> memref<1280x32xf32, #tpu.memory_space<hbm>>
        %dma_wait3A_38 = arith.constant 18720 : i32
        %dma_wait3A_39 = arith.constant 0 : i32
        %dma_wait3A_40 = tpu.memref_slice %arg12[%dma_wait3A_38, %dma_wait3A_39] : memref<20000x32xf32, #tpu.memory_space<vmem_shared>> -> memref<1280x32xf32, #tpu.memory_space<vmem_shared>>
        tpu.wait_dma2 semaphore(%run_scoped3A : memref<!tpu.dma_semaphore, #tpu.memory_space<semaphore_mem>>) src(%dma_wait3A_40 : memref<1280x32xf32, #tpu.memory_space<vmem_shared>>) dst(%dma_wait3A_37 : memref<1280x32xf32, #tpu.memory_space<hbm>>)
        tpu.yield
      }) : () -> ()
    } else {
    }
    return
  }
}

module attributes {stable_mosaic.version = 14 : i64} {
  func.func @_table_body(%arg0: i32, %arg1: memref<1000x128xf32, #tpu.memory_space<vmem>>, %arg2: memref<2x128x32xf32, #tpu.memory_space<vmem>>, %arg3: memref<2x128x32xf32, #tpu.memory_space<vmem>>, %arg4: memref<2x32xf32, #tpu.memory_space<vmem>>, %arg5: memref<2x1000x32xf32, #tpu.memory_space<vmem>>, %arg6: memref<2x1000x32xf32, #tpu.memory_space<vmem>>) attributes {dimension_semantics = [#tpu.dimension_semantics<arbitrary>], iteration_bounds = array<i64: 10>, scalar_prefetch = 0 : i64, scratch_operands = 0 : i64, tpu.core_type = #tpu.core_type<tc>, window_params = [{transform_indices = @transform_0, window_bounds = array<i64: 1000, 128>}, {pipeline_mode = #tpu.pipeline_mode<synchronous>, transform_indices = @transform_1, window_bounds = array<i64: 2, 128, 32>}, {pipeline_mode = #tpu.pipeline_mode<synchronous>, transform_indices = @transform_2, window_bounds = array<i64: 2, 128, 32>}, {pipeline_mode = #tpu.pipeline_mode<synchronous>, transform_indices = @transform_3, window_bounds = array<i64: 2, 32>}, {transform_indices = @transform_4, window_bounds = array<i64: 2, 1000, 32>}, {transform_indices = @transform_5, window_bounds = array<i64: 2, 1000, 32>}]} {
    %get3A = arith.constant 0 : index
    %get3A_0 = arith.constant 0 : index
    %get3A_1 = vector.load %arg1[%get3A, %get3A_0] : memref<1000x128xf32, #tpu.memory_space<vmem>>, vector<1000x128xf32>
    %get3A_2 = arith.constant 0 : index
    %get3A_3 = arith.constant 0 : index
    %get3A_4 = arith.constant 0 : index
    %get3A_5 = vector.load %arg2[%get3A_2, %get3A_3, %get3A_4] : memref<2x128x32xf32, #tpu.memory_space<vmem>>, vector<1x128x32xf32>
    %get3A_6 = vector.shape_cast %get3A_5 : vector<1x128x32xf32> to vector<128x32xf32>
    %dot_general3A = arith.constant dense<0.000000e+00> : vector<1000x32xf32>
    %dot_general3A_7 = tpu.matmul %get3A_1, %get3A_6, %dot_general3A {dimension_numbers = #tpu.dot_dimension_numbers<[1], [0], [0], [1], [0, 0, 1, 1], [], []>, transpose_lhs_hint = false} : vector<1000x128xf32>, vector<128x32xf32>, vector<1000x32xf32> -> vector<1000x32xf32>
    %swap3A = arith.constant 0 : index
    %swap3A_8 = arith.constant 0 : index
    %swap3A_9 = arith.constant 0 : index
    %swap3A_10 = vector.load %arg5[%swap3A, %swap3A_8, %swap3A_9] : memref<2x1000x32xf32, #tpu.memory_space<vmem>>, vector<1x1000x32xf32>
    %swap3A_11 = vector.shape_cast %swap3A_10 : vector<1x1000x32xf32> to vector<1000x32xf32>
    %swap3A_12 = vector.shape_cast %dot_general3A_7 : vector<1000x32xf32> to vector<1x1000x32xf32>
    tpu.vector_store %arg5[%swap3A, %swap3A_8, %swap3A_9], %swap3A_12 {strides = array<i32>} : memref<2x1000x32xf32, #tpu.memory_space<vmem>>, vector<1x1000x32xf32>,
    %get3A_13 = arith.constant 1 : index
    %get3A_14 = arith.constant 0 : index
    %get3A_15 = arith.constant 0 : index
    %get3A_16 = vector.load %arg2[%get3A_13, %get3A_14, %get3A_15] : memref<2x128x32xf32, #tpu.memory_space<vmem>>, vector<1x128x32xf32>
    %get3A_17 = vector.shape_cast %get3A_16 : vector<1x128x32xf32> to vector<128x32xf32>
    %dot_general3A_18 = arith.constant dense<0.000000e+00> : vector<1000x32xf32>
    %dot_general3A_19 = tpu.matmul %get3A_1, %get3A_17, %dot_general3A_18 {dimension_numbers = #tpu.dot_dimension_numbers<[1], [0], [0], [1], [0, 0, 1, 1], [], []>, transpose_lhs_hint = false} : vector<1000x128xf32>, vector<128x32xf32>, vector<1000x32xf32> -> vector<1000x32xf32>
    %swap3A_20 = arith.constant 1 : index
    %swap3A_21 = arith.constant 0 : index
    %swap3A_22 = arith.constant 0 : index
    %swap3A_23 = vector.load %arg5[%swap3A_20, %swap3A_21, %swap3A_22] : memref<2x1000x32xf32, #tpu.memory_space<vmem>>, vector<1x1000x32xf32>
    %swap3A_24 = vector.shape_cast %swap3A_23 : vector<1x1000x32xf32> to vector<1000x32xf32>
    %swap3A_25 = vector.shape_cast %dot_general3A_19 : vector<1000x32xf32> to vector<1x1000x32xf32>
    tpu.vector_store %arg5[%swap3A_20, %swap3A_21, %swap3A_22], %swap3A_25 {strides = array<i32>} : memref<2x1000x32xf32, #tpu.memory_space<vmem>>, vector<1x1000x32xf32>,
    %get3A_26 = arith.constant 0 : index
    %get3A_27 = arith.constant 0 : index
    %get3A_28 = arith.constant 0 : index
    %get3A_29 = vector.load %arg3[%get3A_26, %get3A_27, %get3A_28] : memref<2x128x32xf32, #tpu.memory_space<vmem>>, vector<1x128x32xf32>
    %get3A_30 = vector.shape_cast %get3A_29 : vector<1x128x32xf32> to vector<128x32xf32>
    %dot_general3A_31 = arith.constant dense<0.000000e+00> : vector<1000x32xf32>
    %dot_general3A_32 = tpu.matmul %get3A_1, %get3A_30, %dot_general3A_31 {dimension_numbers = #tpu.dot_dimension_numbers<[1], [0], [0], [1], [0, 0, 1, 1], [], []>, transpose_lhs_hint = false} : vector<1000x128xf32>, vector<128x32xf32>, vector<1000x32xf32> -> vector<1000x32xf32>
    %get3A_33 = arith.constant 0 : index
    %get3A_34 = arith.constant 0 : index
    %get3A_35 = vector.load %arg4[%get3A_33, %get3A_34] : memref<2x32xf32, #tpu.memory_space<vmem>>, vector<1x32xf32>
    %add3A = vector.broadcast %get3A_35 : vector<1x32xf32> to vector<1000x32xf32>
    %add3A_36 = arith.addf %dot_general3A_32, %add3A : vector<1000x32xf32>
    %swap3A_37 = arith.constant 0 : index
    %swap3A_38 = arith.constant 0 : index
    %swap3A_39 = arith.constant 0 : index
    %swap3A_40 = vector.load %arg6[%swap3A_37, %swap3A_38, %swap3A_39] : memref<2x1000x32xf32, #tpu.memory_space<vmem>>, vector<1x1000x32xf32>
    %swap3A_41 = vector.shape_cast %swap3A_40 : vector<1x1000x32xf32> to vector<1000x32xf32>
    %swap3A_42 = vector.shape_cast %add3A_36 : vector<1000x32xf32> to vector<1x1000x32xf32>
    tpu.vector_store %arg6[%swap3A_37, %swap3A_38, %swap3A_39], %swap3A_42 {strides = array<i32>} : memref<2x1000x32xf32, #tpu.memory_space<vmem>>, vector<1x1000x32xf32>,
    %get3A_43 = arith.constant 1 : index
    %get3A_44 = arith.constant 0 : index
    %get3A_45 = arith.constant 0 : index
    %get3A_46 = vector.load %arg3[%get3A_43, %get3A_44, %get3A_45] : memref<2x128x32xf32, #tpu.memory_space<vmem>>, vector<1x128x32xf32>
    %get3A_47 = vector.shape_cast %get3A_46 : vector<1x128x32xf32> to vector<128x32xf32>
    %dot_general3A_48 = arith.constant dense<0.000000e+00> : vector<1000x32xf32>
    %dot_general3A_49 = tpu.matmul %get3A_1, %get3A_47, %dot_general3A_48 {dimension_numbers = #tpu.dot_dimension_numbers<[1], [0], [0], [1], [0, 0, 1, 1], [], []>, transpose_lhs_hint = false} : vector<1000x128xf32>, vector<128x32xf32>, vector<1000x32xf32> -> vector<1000x32xf32>
    %get3A_50 = arith.constant 1 : index
    %get3A_51 = arith.constant 0 : index
    %get3A_52 = vector.load %arg4[%get3A_50, %get3A_51] : memref<2x32xf32, #tpu.memory_space<vmem>>, vector<1x32xf32>
    %add3A_53 = vector.broadcast %get3A_52 : vector<1x32xf32> to vector<1000x32xf32>
    %add3A_54 = arith.addf %dot_general3A_49, %add3A_53 : vector<1000x32xf32>
    %swap3A_55 = arith.constant 1 : index
    %swap3A_56 = arith.constant 0 : index
    %swap3A_57 = arith.constant 0 : index
    %swap3A_58 = vector.load %arg6[%swap3A_55, %swap3A_56, %swap3A_57] : memref<2x1000x32xf32, #tpu.memory_space<vmem>>, vector<1x1000x32xf32>
    %swap3A_59 = vector.shape_cast %swap3A_58 : vector<1x1000x32xf32> to vector<1000x32xf32>
    %swap3A_60 = vector.shape_cast %add3A_54 : vector<1000x32xf32> to vector<1x1000x32xf32>
    tpu.vector_store %arg6[%swap3A_55, %swap3A_56, %swap3A_57], %swap3A_60 {strides = array<i32>} : memref<2x1000x32xf32, #tpu.memory_space<vmem>>, vector<1x1000x32xf32>,
    return
  }
  func.func @transform_0(%arg0: i32) -> (i32, i32) {
    %c0_i32 = arith.constant 0 : i32
    %c0_i32_0 = arith.constant 0 : i32
    return %arg0, %c0_i32 : i32, i32
  }
  func.func @transform_1(%arg0: i32) -> (i32, i32, i32) {
    %c0_i32 = arith.constant 0 : i32
    %c0_i32_0 = arith.constant 0 : i32
    %c0_i32_1 = arith.constant 0 : i32
    %c0_i32_2 = arith.constant 0 : i32
    return %c0_i32, %c0_i32_0, %c0_i32_1 : i32, i32, i32
  }
  func.func @transform_2(%arg0: i32) -> (i32, i32, i32) {
    %c0_i32 = arith.constant 0 : i32
    %c0_i32_0 = arith.constant 0 : i32
    %c0_i32_1 = arith.constant 0 : i32
    %c0_i32_2 = arith.constant 0 : i32
    return %c0_i32, %c0_i32_0, %c0_i32_1 : i32, i32, i32
  }
  func.func @transform_3(%arg0: i32) -> (i32, i32) {
    %c0_i32 = arith.constant 0 : i32
    %c0_i32_0 = arith.constant 0 : i32
    %c0_i32_1 = arith.constant 0 : i32
    return %c0_i32, %c0_i32_0 : i32, i32
  }
  func.func @transform_4(%arg0: i32) -> (i32, i32, i32) {
    %c0_i32 = arith.constant 0 : i32
    %c0_i32_0 = arith.constant 0 : i32
    %c0_i32_1 = arith.constant 0 : i32
    return %c0_i32, %arg0, %c0_i32_0 : i32, i32, i32
  }
  func.func @transform_5(%arg0: i32) -> (i32, i32, i32) {
    %c0_i32 = arith.constant 0 : i32
    %c0_i32_0 = arith.constant 0 : i32
    %c0_i32_1 = arith.constant 0 : i32
    return %c0_i32, %arg0, %c0_i32_0 : i32, i32, i32
  }
}

module attributes {stable_mosaic.version = 14 : i64} {
  func.func @_post_body(%arg0: i32, %arg1: memref<1000x32xf32, #tpu.memory_space<vmem>>, %arg2: memref<1000x32xf32, #tpu.memory_space<vmem>>, %arg3: memref<1000x32xf32, #tpu.memory_space<vmem>>, %arg4: memref<1000x32xf32, #tpu.memory_space<vmem>>, %arg5: memref<1000x16xf32, #tpu.memory_space<vmem>>, %arg6: memref<1000x16xf32, #tpu.memory_space<vmem>>, %arg7: memref<1000x16xf32, #tpu.memory_space<vmem>>, %arg8: memref<1000x16xf32, #tpu.memory_space<vmem>>, %arg9: memref<1000x128xf32, #tpu.memory_space<vmem>>, %arg10: memref<32x32xf32, #tpu.memory_space<vmem>>, %arg11: memref<32x32xf32, #tpu.memory_space<vmem>>, %arg12: memref<128x32xf32, #tpu.memory_space<vmem>>, %arg13: memref<1x32xf32, #tpu.memory_space<vmem>>, %arg14: memref<1000x32xf32, #tpu.memory_space<vmem>>) attributes {dimension_semantics = [#tpu.dimension_semantics<arbitrary>], iteration_bounds = array<i64: 10>, scalar_prefetch = 0 : i64, scratch_operands = 0 : i64, tpu.core_type = #tpu.core_type<tc>, window_params = [{transform_indices = @transform_0, window_bounds = array<i64: 1000, 32>}, {transform_indices = @transform_1, window_bounds = array<i64: 1000, 32>}, {transform_indices = @transform_2, window_bounds = array<i64: 1000, 32>}, {transform_indices = @transform_3, window_bounds = array<i64: 1000, 32>}, {transform_indices = @transform_4, window_bounds = array<i64: 1000, 16>}, {transform_indices = @transform_5, window_bounds = array<i64: 1000, 16>}, {transform_indices = @transform_6, window_bounds = array<i64: 1000, 16>}, {transform_indices = @transform_7, window_bounds = array<i64: 1000, 16>}, {transform_indices = @transform_8, window_bounds = array<i64: 1000, 128>}, {pipeline_mode = #tpu.pipeline_mode<synchronous>, transform_indices = @transform_9, window_bounds = array<i64: 32, 32>}, {pipeline_mode = #tpu.pipeline_mode<synchronous>, transform_indices = @transform_10, window_bounds = array<i64: 32, 32>}, {pipeline_mode = #tpu.pipeline_mode<synchronous>, transform_indices = @transform_11, window_bounds = array<i64: 128, 32>}, {pipeline_mode = #tpu.pipeline_mode<synchronous>, transform_indices = @transform_12, window_bounds = array<i64: 1, 32>}, {transform_indices = @transform_13, window_bounds = array<i64: 1000, 32>}]} {
    %get3A = arith.constant 0 : index
    %get3A_0 = arith.constant 0 : index
    %get3A_1 = vector.load %arg5[%get3A, %get3A_0] : memref<1000x16xf32, #tpu.memory_space<vmem>>, vector<1000x1xf32>
    %get3A_2 = arith.constant 0 : index
    %get3A_3 = arith.constant 0 : index
    %get3A_4 = vector.load %arg7[%get3A_2, %get3A_3] : memref<1000x16xf32, #tpu.memory_space<vmem>>, vector<1000x1xf32>
    %add3A = arith.addf %get3A_1, %get3A_4 : vector<1000x1xf32>
    %max3A = arith.constant 1.000000e+00 : f32
    %max3A_5 = vector.broadcast %max3A : f32 to vector<1000x1xf32>
    %max3A_6 = arith.maximumf %add3A, %max3A_5 : vector<1000x1xf32>
    %get3A_7 = arith.constant 0 : index
    %get3A_8 = arith.constant 0 : index
    %get3A_9 = vector.load %arg6[%get3A_7, %get3A_8] : memref<1000x16xf32, #tpu.memory_space<vmem>>, vector<1000x1xf32>
    %get3A_10 = arith.constant 0 : index
    %get3A_11 = arith.constant 0 : index
    %get3A_12 = vector.load %arg8[%get3A_10, %get3A_11] : memref<1000x16xf32, #tpu.memory_space<vmem>>, vector<1000x1xf32>
    %add3A_13 = arith.addf %get3A_9, %get3A_12 : vector<1000x1xf32>
    %max3A_14 = arith.constant 1.000000e+00 : f32
    %max3A_15 = vector.broadcast %max3A_14 : f32 to vector<1000x1xf32>
    %max3A_16 = arith.maximumf %add3A_13, %max3A_15 : vector<1000x1xf32>
    %get3A_17 = arith.constant 0 : index
    %get3A_18 = arith.constant 0 : index
    %get3A_19 = vector.load %arg1[%get3A_17, %get3A_18] : memref<1000x32xf32, #tpu.memory_space<vmem>>, vector<1000x32xf32>
    %get3A_20 = arith.constant 0 : index
    %get3A_21 = arith.constant 0 : index
    %get3A_22 = vector.load %arg3[%get3A_20, %get3A_21] : memref<1000x32xf32, #tpu.memory_space<vmem>>, vector<1000x32xf32>
    %add3A_23 = arith.addf %get3A_19, %get3A_22 : vector<1000x32xf32>
    %div3A = vector.broadcast %max3A_6 : vector<1000x1xf32> to vector<1000x32xf32>
    %div3A_24 = arith.divf %add3A_23, %div3A : vector<1000x32xf32>
    %get3A_25 = arith.constant 0 : index
    %get3A_26 = arith.constant 0 : index
    %get3A_27 = vector.load %arg2[%get3A_25, %get3A_26] : memref<1000x32xf32, #tpu.memory_space<vmem>>, vector<1000x32xf32>
    %get3A_28 = arith.constant 0 : index
    %get3A_29 = arith.constant 0 : index
    %get3A_30 = vector.load %arg4[%get3A_28, %get3A_29] : memref<1000x32xf32, #tpu.memory_space<vmem>>, vector<1000x32xf32>
    %add3A_31 = arith.addf %get3A_27, %get3A_30 : vector<1000x32xf32>
    %div3A_32 = vector.broadcast %max3A_16 : vector<1000x1xf32> to vector<1000x32xf32>
    %div3A_33 = arith.divf %add3A_31, %div3A_32 : vector<1000x32xf32>
    %get3A_34 = arith.constant 0 : index
    %get3A_35 = arith.constant 0 : index
    %get3A_36 = vector.load %arg10[%get3A_34, %get3A_35] : memref<32x32xf32, #tpu.memory_space<vmem>>, vector<32x32xf32>
    %dot_general3A = arith.constant dense<0.000000e+00> : vector<1000x32xf32>
    %dot_general3A_37 = tpu.matmul %div3A_24, %get3A_36, %dot_general3A {dimension_numbers = #tpu.dot_dimension_numbers<[1], [0], [0], [1], [0, 0, 1, 1], [], []>, transpose_lhs_hint = false} : vector<1000x32xf32>, vector<32x32xf32>, vector<1000x32xf32> -> vector<1000x32xf32>
    %get3A_38 = arith.constant 0 : index
    %get3A_39 = arith.constant 0 : index
    %get3A_40 = vector.load %arg11[%get3A_38, %get3A_39] : memref<32x32xf32, #tpu.memory_space<vmem>>, vector<32x32xf32>
    %dot_general3A_41 = arith.constant dense<0.000000e+00> : vector<1000x32xf32>
    %dot_general3A_42 = tpu.matmul %div3A_33, %get3A_40, %dot_general3A_41 {dimension_numbers = #tpu.dot_dimension_numbers<[1], [0], [0], [1], [0, 0, 1, 1], [], []>, transpose_lhs_hint = false} : vector<1000x32xf32>, vector<32x32xf32>, vector<1000x32xf32> -> vector<1000x32xf32>
    %add3A_43 = arith.addf %dot_general3A_37, %dot_general3A_42 : vector<1000x32xf32>
    %get3A_44 = arith.constant 0 : index
    %get3A_45 = arith.constant 0 : index
    %get3A_46 = vector.load %arg9[%get3A_44, %get3A_45] : memref<1000x128xf32, #tpu.memory_space<vmem>>, vector<1000x128xf32>
    %get3A_47 = arith.constant 0 : index
    %get3A_48 = arith.constant 0 : index
    %get3A_49 = vector.load %arg12[%get3A_47, %get3A_48] : memref<128x32xf32, #tpu.memory_space<vmem>>, vector<128x32xf32>
    %dot_general3A_50 = arith.constant dense<0.000000e+00> : vector<1000x32xf32>
    %dot_general3A_51 = tpu.matmul %get3A_46, %get3A_49, %dot_general3A_50 {dimension_numbers = #tpu.dot_dimension_numbers<[1], [0], [0], [1], [0, 0, 1, 1], [], []>, transpose_lhs_hint = false} : vector<1000x128xf32>, vector<128x32xf32>, vector<1000x32xf32> -> vector<1000x32xf32>
    %add3A_52 = arith.addf %add3A_43, %dot_general3A_51 : vector<1000x32xf32>
    %get3A_53 = arith.constant 0 : index
    %get3A_54 = arith.constant 0 : index
    %get3A_55 = vector.load %arg13[%get3A_53, %get3A_54] : memref<1x32xf32, #tpu.memory_space<vmem>>, vector<1x32xf32>
    %add3A_56 = vector.broadcast %get3A_55 : vector<1x32xf32> to vector<1000x32xf32>
    %add3A_57 = arith.addf %add3A_52, %add3A_56 : vector<1000x32xf32>
    %max3A_58 = arith.constant 0.000000e+00 : f32
    %max3A_59 = vector.broadcast %max3A_58 : f32 to vector<1000x32xf32>
    %max3A_60 = arith.maximumf %add3A_57, %max3A_59 : vector<1000x32xf32>
    %swap3A = arith.constant 0 : index
    %swap3A_61 = arith.constant 0 : index
    %swap3A_62 = vector.load %arg14[%swap3A, %swap3A_61] : memref<1000x32xf32, #tpu.memory_space<vmem>>, vector<1000x32xf32>
    tpu.vector_store %arg14[%swap3A, %swap3A_61], %max3A_60 {strides = array<i32>} : memref<1000x32xf32, #tpu.memory_space<vmem>>, vector<1000x32xf32>,
    return
  }
  func.func @transform_0(%arg0: i32) -> (i32, i32) {
    %add3A = arith.constant 0 : i32
    %add3A_0 = arith.addi %arg0, %add3A : i32
    %c0_i32 = arith.constant 0 : i32
    %c0_i32_1 = arith.constant 0 : i32
    return %add3A_0, %c0_i32 : i32, i32
  }
  func.func @transform_1(%arg0: i32) -> (i32, i32) {
    %add3A = arith.constant 10 : i32
    %add3A_0 = arith.addi %arg0, %add3A : i32
    %c0_i32 = arith.constant 0 : i32
    %c0_i32_1 = arith.constant 0 : i32
    return %add3A_0, %c0_i32 : i32, i32
  }
  func.func @transform_2(%arg0: i32) -> (i32, i32) {
    %add3A = arith.constant 20 : i32
    %add3A_0 = arith.addi %arg0, %add3A : i32
    %c0_i32 = arith.constant 0 : i32
    %c0_i32_1 = arith.constant 0 : i32
    return %add3A_0, %c0_i32 : i32, i32
  }
  func.func @transform_3(%arg0: i32) -> (i32, i32) {
    %add3A = arith.constant 30 : i32
    %add3A_0 = arith.addi %arg0, %add3A : i32
    %c0_i32 = arith.constant 0 : i32
    %c0_i32_1 = arith.constant 0 : i32
    return %add3A_0, %c0_i32 : i32, i32
  }
  func.func @transform_4(%arg0: i32) -> (i32, i32) {
    %add3A = arith.constant 0 : i32
    %add3A_0 = arith.addi %arg0, %add3A : i32
    %c0_i32 = arith.constant 0 : i32
    %c0_i32_1 = arith.constant 0 : i32
    return %add3A_0, %c0_i32 : i32, i32
  }
  func.func @transform_5(%arg0: i32) -> (i32, i32) {
    %add3A = arith.constant 10 : i32
    %add3A_0 = arith.addi %arg0, %add3A : i32
    %c0_i32 = arith.constant 0 : i32
    %c0_i32_1 = arith.constant 0 : i32
    return %add3A_0, %c0_i32 : i32, i32
  }
  func.func @transform_6(%arg0: i32) -> (i32, i32) {
    %add3A = arith.constant 20 : i32
    %add3A_0 = arith.addi %arg0, %add3A : i32
    %c0_i32 = arith.constant 0 : i32
    %c0_i32_1 = arith.constant 0 : i32
    return %add3A_0, %c0_i32 : i32, i32
  }
  func.func @transform_7(%arg0: i32) -> (i32, i32) {
    %add3A = arith.constant 30 : i32
    %add3A_0 = arith.addi %arg0, %add3A : i32
    %c0_i32 = arith.constant 0 : i32
    %c0_i32_1 = arith.constant 0 : i32
    return %add3A_0, %c0_i32 : i32, i32
  }
  func.func @transform_8(%arg0: i32) -> (i32, i32) {
    %c0_i32 = arith.constant 0 : i32
    %c0_i32_0 = arith.constant 0 : i32
    return %arg0, %c0_i32 : i32, i32
  }
  func.func @transform_9(%arg0: i32) -> (i32, i32) {
    %c0_i32 = arith.constant 0 : i32
    %c0_i32_0 = arith.constant 0 : i32
    %c0_i32_1 = arith.constant 0 : i32
    return %c0_i32, %c0_i32_0 : i32, i32
  }
  func.func @transform_10(%arg0: i32) -> (i32, i32) {
    %c0_i32 = arith.constant 0 : i32
    %c0_i32_0 = arith.constant 0 : i32
    %c0_i32_1 = arith.constant 0 : i32
    return %c0_i32, %c0_i32_0 : i32, i32
  }
  func.func @transform_11(%arg0: i32) -> (i32, i32) {
    %c0_i32 = arith.constant 0 : i32
    %c0_i32_0 = arith.constant 0 : i32
    %c0_i32_1 = arith.constant 0 : i32
    return %c0_i32, %c0_i32_0 : i32, i32
  }
  func.func @transform_12(%arg0: i32) -> (i32, i32) {
    %c0_i32 = arith.constant 0 : i32
    %c0_i32_0 = arith.constant 0 : i32
    %c0_i32_1 = arith.constant 0 : i32
    return %c0_i32, %c0_i32_0 : i32, i32
  }
  func.func @transform_13(%arg0: i32) -> (i32, i32) {
    %c0_i32 = arith.constant 0 : i32
    %c0_i32_0 = arith.constant 0 : i32
    return %arg0, %c0_i32 : i32, i32
  }
}

module attributes {stable_mosaic.version = 14 : i64} {
  func.func @_table_body(%arg0: i32, %arg1: memref<1000x32xf32, #tpu.memory_space<vmem>>, %arg2: memref<2x32x32xf32, #tpu.memory_space<vmem>>, %arg3: memref<2x32x32xf32, #tpu.memory_space<vmem>>, %arg4: memref<2x32xf32, #tpu.memory_space<vmem>>, %arg5: memref<2x1000x32xf32, #tpu.memory_space<vmem>>, %arg6: memref<2x1000x32xf32, #tpu.memory_space<vmem>>) attributes {dimension_semantics = [#tpu.dimension_semantics<arbitrary>], iteration_bounds = array<i64: 10>, scalar_prefetch = 0 : i64, scratch_operands = 0 : i64, tpu.core_type = #tpu.core_type<tc>, window_params = [{transform_indices = @transform_0, window_bounds = array<i64: 1000, 32>}, {pipeline_mode = #tpu.pipeline_mode<synchronous>, transform_indices = @transform_1, window_bounds = array<i64: 2, 32, 32>}, {pipeline_mode = #tpu.pipeline_mode<synchronous>, transform_indices = @transform_2, window_bounds = array<i64: 2, 32, 32>}, {pipeline_mode = #tpu.pipeline_mode<synchronous>, transform_indices = @transform_3, window_bounds = array<i64: 2, 32>}, {transform_indices = @transform_4, window_bounds = array<i64: 2, 1000, 32>}, {transform_indices = @transform_5, window_bounds = array<i64: 2, 1000, 32>}]} {
    %get3A = arith.constant 0 : index
    %get3A_0 = arith.constant 0 : index
    %get3A_1 = vector.load %arg1[%get3A, %get3A_0] : memref<1000x32xf32, #tpu.memory_space<vmem>>, vector<1000x32xf32>
    %get3A_2 = arith.constant 0 : index
    %get3A_3 = arith.constant 0 : index
    %get3A_4 = arith.constant 0 : index
    %get3A_5 = vector.load %arg2[%get3A_2, %get3A_3, %get3A_4] : memref<2x32x32xf32, #tpu.memory_space<vmem>>, vector<1x32x32xf32>
    %get3A_6 = vector.shape_cast %get3A_5 : vector<1x32x32xf32> to vector<32x32xf32>
    %dot_general3A = arith.constant dense<0.000000e+00> : vector<1000x32xf32>
    %dot_general3A_7 = tpu.matmul %get3A_1, %get3A_6, %dot_general3A {dimension_numbers = #tpu.dot_dimension_numbers<[1], [0], [0], [1], [0, 0, 1, 1], [], []>, transpose_lhs_hint = false} : vector<1000x32xf32>, vector<32x32xf32>, vector<1000x32xf32> -> vector<1000x32xf32>
    %swap3A = arith.constant 0 : index
    %swap3A_8 = arith.constant 0 : index
    %swap3A_9 = arith.constant 0 : index
    %swap3A_10 = vector.load %arg5[%swap3A, %swap3A_8, %swap3A_9] : memref<2x1000x32xf32, #tpu.memory_space<vmem>>, vector<1x1000x32xf32>
    %swap3A_11 = vector.shape_cast %swap3A_10 : vector<1x1000x32xf32> to vector<1000x32xf32>
    %swap3A_12 = vector.shape_cast %dot_general3A_7 : vector<1000x32xf32> to vector<1x1000x32xf32>
    tpu.vector_store %arg5[%swap3A, %swap3A_8, %swap3A_9], %swap3A_12 {strides = array<i32>} : memref<2x1000x32xf32, #tpu.memory_space<vmem>>, vector<1x1000x32xf32>,
    %get3A_13 = arith.constant 1 : index
    %get3A_14 = arith.constant 0 : index
    %get3A_15 = arith.constant 0 : index
    %get3A_16 = vector.load %arg2[%get3A_13, %get3A_14, %get3A_15] : memref<2x32x32xf32, #tpu.memory_space<vmem>>, vector<1x32x32xf32>
    %get3A_17 = vector.shape_cast %get3A_16 : vector<1x32x32xf32> to vector<32x32xf32>
    %dot_general3A_18 = arith.constant dense<0.000000e+00> : vector<1000x32xf32>
    %dot_general3A_19 = tpu.matmul %get3A_1, %get3A_17, %dot_general3A_18 {dimension_numbers = #tpu.dot_dimension_numbers<[1], [0], [0], [1], [0, 0, 1, 1], [], []>, transpose_lhs_hint = false} : vector<1000x32xf32>, vector<32x32xf32>, vector<1000x32xf32> -> vector<1000x32xf32>
    %swap3A_20 = arith.constant 1 : index
    %swap3A_21 = arith.constant 0 : index
    %swap3A_22 = arith.constant 0 : index
    %swap3A_23 = vector.load %arg5[%swap3A_20, %swap3A_21, %swap3A_22] : memref<2x1000x32xf32, #tpu.memory_space<vmem>>, vector<1x1000x32xf32>
    %swap3A_24 = vector.shape_cast %swap3A_23 : vector<1x1000x32xf32> to vector<1000x32xf32>
    %swap3A_25 = vector.shape_cast %dot_general3A_19 : vector<1000x32xf32> to vector<1x1000x32xf32>
    tpu.vector_store %arg5[%swap3A_20, %swap3A_21, %swap3A_22], %swap3A_25 {strides = array<i32>} : memref<2x1000x32xf32, #tpu.memory_space<vmem>>, vector<1x1000x32xf32>,
    %get3A_26 = arith.constant 0 : index
    %get3A_27 = arith.constant 0 : index
    %get3A_28 = arith.constant 0 : index
    %get3A_29 = vector.load %arg3[%get3A_26, %get3A_27, %get3A_28] : memref<2x32x32xf32, #tpu.memory_space<vmem>>, vector<1x32x32xf32>
    %get3A_30 = vector.shape_cast %get3A_29 : vector<1x32x32xf32> to vector<32x32xf32>
    %dot_general3A_31 = arith.constant dense<0.000000e+00> : vector<1000x32xf32>
    %dot_general3A_32 = tpu.matmul %get3A_1, %get3A_30, %dot_general3A_31 {dimension_numbers = #tpu.dot_dimension_numbers<[1], [0], [0], [1], [0, 0, 1, 1], [], []>, transpose_lhs_hint = false} : vector<1000x32xf32>, vector<32x32xf32>, vector<1000x32xf32> -> vector<1000x32xf32>
    %get3A_33 = arith.constant 0 : index
    %get3A_34 = arith.constant 0 : index
    %get3A_35 = vector.load %arg4[%get3A_33, %get3A_34] : memref<2x32xf32, #tpu.memory_space<vmem>>, vector<1x32xf32>
    %add3A = vector.broadcast %get3A_35 : vector<1x32xf32> to vector<1000x32xf32>
    %add3A_36 = arith.addf %dot_general3A_32, %add3A : vector<1000x32xf32>
    %swap3A_37 = arith.constant 0 : index
    %swap3A_38 = arith.constant 0 : index
    %swap3A_39 = arith.constant 0 : index
    %swap3A_40 = vector.load %arg6[%swap3A_37, %swap3A_38, %swap3A_39] : memref<2x1000x32xf32, #tpu.memory_space<vmem>>, vector<1x1000x32xf32>
    %swap3A_41 = vector.shape_cast %swap3A_40 : vector<1x1000x32xf32> to vector<1000x32xf32>
    %swap3A_42 = vector.shape_cast %add3A_36 : vector<1000x32xf32> to vector<1x1000x32xf32>
    tpu.vector_store %arg6[%swap3A_37, %swap3A_38, %swap3A_39], %swap3A_42 {strides = array<i32>} : memref<2x1000x32xf32, #tpu.memory_space<vmem>>, vector<1x1000x32xf32>,
    %get3A_43 = arith.constant 1 : index
    %get3A_44 = arith.constant 0 : index
    %get3A_45 = arith.constant 0 : index
    %get3A_46 = vector.load %arg3[%get3A_43, %get3A_44, %get3A_45] : memref<2x32x32xf32, #tpu.memory_space<vmem>>, vector<1x32x32xf32>
    %get3A_47 = vector.shape_cast %get3A_46 : vector<1x32x32xf32> to vector<32x32xf32>
    %dot_general3A_48 = arith.constant dense<0.000000e+00> : vector<1000x32xf32>
    %dot_general3A_49 = tpu.matmul %get3A_1, %get3A_47, %dot_general3A_48 {dimension_numbers = #tpu.dot_dimension_numbers<[1], [0], [0], [1], [0, 0, 1, 1], [], []>, transpose_lhs_hint = false} : vector<1000x32xf32>, vector<32x32xf32>, vector<1000x32xf32> -> vector<1000x32xf32>
    %get3A_50 = arith.constant 1 : index
    %get3A_51 = arith.constant 0 : index
    %get3A_52 = vector.load %arg4[%get3A_50, %get3A_51] : memref<2x32xf32, #tpu.memory_space<vmem>>, vector<1x32xf32>
    %add3A_53 = vector.broadcast %get3A_52 : vector<1x32xf32> to vector<1000x32xf32>
    %add3A_54 = arith.addf %dot_general3A_49, %add3A_53 : vector<1000x32xf32>
    %swap3A_55 = arith.constant 1 : index
    %swap3A_56 = arith.constant 0 : index
    %swap3A_57 = arith.constant 0 : index
    %swap3A_58 = vector.load %arg6[%swap3A_55, %swap3A_56, %swap3A_57] : memref<2x1000x32xf32, #tpu.memory_space<vmem>>, vector<1x1000x32xf32>
    %swap3A_59 = vector.shape_cast %swap3A_58 : vector<1x1000x32xf32> to vector<1000x32xf32>
    %swap3A_60 = vector.shape_cast %add3A_54 : vector<1000x32xf32> to vector<1x1000x32xf32>
    tpu.vector_store %arg6[%swap3A_55, %swap3A_56, %swap3A_57], %swap3A_60 {strides = array<i32>} : memref<2x1000x32xf32, #tpu.memory_space<vmem>>, vector<1x1000x32xf32>,
    return
  }
  func.func @transform_0(%arg0: i32) -> (i32, i32) {
    %c0_i32 = arith.constant 0 : i32
    %c0_i32_0 = arith.constant 0 : i32
    return %arg0, %c0_i32 : i32, i32
  }
  func.func @transform_1(%arg0: i32) -> (i32, i32, i32) {
    %c0_i32 = arith.constant 0 : i32
    %c0_i32_0 = arith.constant 0 : i32
    %c0_i32_1 = arith.constant 0 : i32
    %c0_i32_2 = arith.constant 0 : i32
    return %c0_i32, %c0_i32_0, %c0_i32_1 : i32, i32, i32
  }
  func.func @transform_2(%arg0: i32) -> (i32, i32, i32) {
    %c0_i32 = arith.constant 0 : i32
    %c0_i32_0 = arith.constant 0 : i32
    %c0_i32_1 = arith.constant 0 : i32
    %c0_i32_2 = arith.constant 0 : i32
    return %c0_i32, %c0_i32_0, %c0_i32_1 : i32, i32, i32
  }
  func.func @transform_3(%arg0: i32) -> (i32, i32) {
    %c0_i32 = arith.constant 0 : i32
    %c0_i32_0 = arith.constant 0 : i32
    %c0_i32_1 = arith.constant 0 : i32
    return %c0_i32, %c0_i32_0 : i32, i32
  }
  func.func @transform_4(%arg0: i32) -> (i32, i32, i32) {
    %c0_i32 = arith.constant 0 : i32
    %c0_i32_0 = arith.constant 0 : i32
    %c0_i32_1 = arith.constant 0 : i32
    return %c0_i32, %arg0, %c0_i32_0 : i32, i32, i32
  }
  func.func @transform_5(%arg0: i32) -> (i32, i32, i32) {
    %c0_i32 = arith.constant 0 : i32
    %c0_i32_0 = arith.constant 0 : i32
    %c0_i32_1 = arith.constant 0 : i32
    return %c0_i32, %arg0, %c0_i32_0 : i32, i32, i32
  }
}

module attributes {stable_mosaic.version = 14 : i64} {
  func.func @_post_body(%arg0: i32, %arg1: memref<1000x32xf32, #tpu.memory_space<vmem>>, %arg2: memref<1000x32xf32, #tpu.memory_space<vmem>>, %arg3: memref<1000x32xf32, #tpu.memory_space<vmem>>, %arg4: memref<1000x32xf32, #tpu.memory_space<vmem>>, %arg5: memref<1000x16xf32, #tpu.memory_space<vmem>>, %arg6: memref<1000x16xf32, #tpu.memory_space<vmem>>, %arg7: memref<1000x16xf32, #tpu.memory_space<vmem>>, %arg8: memref<1000x16xf32, #tpu.memory_space<vmem>>, %arg9: memref<1000x32xf32, #tpu.memory_space<vmem>>, %arg10: memref<32x32xf32, #tpu.memory_space<vmem>>, %arg11: memref<32x32xf32, #tpu.memory_space<vmem>>, %arg12: memref<32x32xf32, #tpu.memory_space<vmem>>, %arg13: memref<1x32xf32, #tpu.memory_space<vmem>>, %arg14: memref<1000x32xf32, #tpu.memory_space<vmem>>) attributes {dimension_semantics = [#tpu.dimension_semantics<arbitrary>], iteration_bounds = array<i64: 10>, scalar_prefetch = 0 : i64, scratch_operands = 0 : i64, tpu.core_type = #tpu.core_type<tc>, window_params = [{transform_indices = @transform_0, window_bounds = array<i64: 1000, 32>}, {transform_indices = @transform_1, window_bounds = array<i64: 1000, 32>}, {transform_indices = @transform_2, window_bounds = array<i64: 1000, 32>}, {transform_indices = @transform_3, window_bounds = array<i64: 1000, 32>}, {transform_indices = @transform_4, window_bounds = array<i64: 1000, 16>}, {transform_indices = @transform_5, window_bounds = array<i64: 1000, 16>}, {transform_indices = @transform_6, window_bounds = array<i64: 1000, 16>}, {transform_indices = @transform_7, window_bounds = array<i64: 1000, 16>}, {transform_indices = @transform_8, window_bounds = array<i64: 1000, 32>}, {pipeline_mode = #tpu.pipeline_mode<synchronous>, transform_indices = @transform_9, window_bounds = array<i64: 32, 32>}, {pipeline_mode = #tpu.pipeline_mode<synchronous>, transform_indices = @transform_10, window_bounds = array<i64: 32, 32>}, {pipeline_mode = #tpu.pipeline_mode<synchronous>, transform_indices = @transform_11, window_bounds = array<i64: 32, 32>}, {pipeline_mode = #tpu.pipeline_mode<synchronous>, transform_indices = @transform_12, window_bounds = array<i64: 1, 32>}, {transform_indices = @transform_13, window_bounds = array<i64: 1000, 32>}]} {
    %get3A = arith.constant 0 : index
    %get3A_0 = arith.constant 0 : index
    %get3A_1 = vector.load %arg5[%get3A, %get3A_0] : memref<1000x16xf32, #tpu.memory_space<vmem>>, vector<1000x1xf32>
    %get3A_2 = arith.constant 0 : index
    %get3A_3 = arith.constant 0 : index
    %get3A_4 = vector.load %arg7[%get3A_2, %get3A_3] : memref<1000x16xf32, #tpu.memory_space<vmem>>, vector<1000x1xf32>
    %add3A = arith.addf %get3A_1, %get3A_4 : vector<1000x1xf32>
    %max3A = arith.constant 1.000000e+00 : f32
    %max3A_5 = vector.broadcast %max3A : f32 to vector<1000x1xf32>
    %max3A_6 = arith.maximumf %add3A, %max3A_5 : vector<1000x1xf32>
    %get3A_7 = arith.constant 0 : index
    %get3A_8 = arith.constant 0 : index
    %get3A_9 = vector.load %arg6[%get3A_7, %get3A_8] : memref<1000x16xf32, #tpu.memory_space<vmem>>, vector<1000x1xf32>
    %get3A_10 = arith.constant 0 : index
    %get3A_11 = arith.constant 0 : index
    %get3A_12 = vector.load %arg8[%get3A_10, %get3A_11] : memref<1000x16xf32, #tpu.memory_space<vmem>>, vector<1000x1xf32>
    %add3A_13 = arith.addf %get3A_9, %get3A_12 : vector<1000x1xf32>
    %max3A_14 = arith.constant 1.000000e+00 : f32
    %max3A_15 = vector.broadcast %max3A_14 : f32 to vector<1000x1xf32>
    %max3A_16 = arith.maximumf %add3A_13, %max3A_15 : vector<1000x1xf32>
    %get3A_17 = arith.constant 0 : index
    %get3A_18 = arith.constant 0 : index
    %get3A_19 = vector.load %arg1[%get3A_17, %get3A_18] : memref<1000x32xf32, #tpu.memory_space<vmem>>, vector<1000x32xf32>
    %get3A_20 = arith.constant 0 : index
    %get3A_21 = arith.constant 0 : index
    %get3A_22 = vector.load %arg3[%get3A_20, %get3A_21] : memref<1000x32xf32, #tpu.memory_space<vmem>>, vector<1000x32xf32>
    %add3A_23 = arith.addf %get3A_19, %get3A_22 : vector<1000x32xf32>
    %div3A = vector.broadcast %max3A_6 : vector<1000x1xf32> to vector<1000x32xf32>
    %div3A_24 = arith.divf %add3A_23, %div3A : vector<1000x32xf32>
    %get3A_25 = arith.constant 0 : index
    %get3A_26 = arith.constant 0 : index
    %get3A_27 = vector.load %arg2[%get3A_25, %get3A_26] : memref<1000x32xf32, #tpu.memory_space<vmem>>, vector<1000x32xf32>
    %get3A_28 = arith.constant 0 : index
    %get3A_29 = arith.constant 0 : index
    %get3A_30 = vector.load %arg4[%get3A_28, %get3A_29] : memref<1000x32xf32, #tpu.memory_space<vmem>>, vector<1000x32xf32>
    %add3A_31 = arith.addf %get3A_27, %get3A_30 : vector<1000x32xf32>
    %div3A_32 = vector.broadcast %max3A_16 : vector<1000x1xf32> to vector<1000x32xf32>
    %div3A_33 = arith.divf %add3A_31, %div3A_32 : vector<1000x32xf32>
    %get3A_34 = arith.constant 0 : index
    %get3A_35 = arith.constant 0 : index
    %get3A_36 = vector.load %arg10[%get3A_34, %get3A_35] : memref<32x32xf32, #tpu.memory_space<vmem>>, vector<32x32xf32>
    %dot_general3A = arith.constant dense<0.000000e+00> : vector<1000x32xf32>
    %dot_general3A_37 = tpu.matmul %div3A_24, %get3A_36, %dot_general3A {dimension_numbers = #tpu.dot_dimension_numbers<[1], [0], [0], [1], [0, 0, 1, 1], [], []>, transpose_lhs_hint = false} : vector<1000x32xf32>, vector<32x32xf32>, vector<1000x32xf32> -> vector<1000x32xf32>
    %get3A_38 = arith.constant 0 : index
    %get3A_39 = arith.constant 0 : index
    %get3A_40 = vector.load %arg11[%get3A_38, %get3A_39] : memref<32x32xf32, #tpu.memory_space<vmem>>, vector<32x32xf32>
    %dot_general3A_41 = arith.constant dense<0.000000e+00> : vector<1000x32xf32>
    %dot_general3A_42 = tpu.matmul %div3A_33, %get3A_40, %dot_general3A_41 {dimension_numbers = #tpu.dot_dimension_numbers<[1], [0], [0], [1], [0, 0, 1, 1], [], []>, transpose_lhs_hint = false} : vector<1000x32xf32>, vector<32x32xf32>, vector<1000x32xf32> -> vector<1000x32xf32>
    %add3A_43 = arith.addf %dot_general3A_37, %dot_general3A_42 : vector<1000x32xf32>
    %get3A_44 = arith.constant 0 : index
    %get3A_45 = arith.constant 0 : index
    %get3A_46 = vector.load %arg9[%get3A_44, %get3A_45] : memref<1000x32xf32, #tpu.memory_space<vmem>>, vector<1000x32xf32>
    %get3A_47 = arith.constant 0 : index
    %get3A_48 = arith.constant 0 : index
    %get3A_49 = vector.load %arg12[%get3A_47, %get3A_48] : memref<32x32xf32, #tpu.memory_space<vmem>>, vector<32x32xf32>
    %dot_general3A_50 = arith.constant dense<0.000000e+00> : vector<1000x32xf32>
    %dot_general3A_51 = tpu.matmul %get3A_46, %get3A_49, %dot_general3A_50 {dimension_numbers = #tpu.dot_dimension_numbers<[1], [0], [0], [1], [0, 0, 1, 1], [], []>, transpose_lhs_hint = false} : vector<1000x32xf32>, vector<32x32xf32>, vector<1000x32xf32> -> vector<1000x32xf32>
    %add3A_52 = arith.addf %add3A_43, %dot_general3A_51 : vector<1000x32xf32>
    %get3A_53 = arith.constant 0 : index
    %get3A_54 = arith.constant 0 : index
    %get3A_55 = vector.load %arg13[%get3A_53, %get3A_54] : memref<1x32xf32, #tpu.memory_space<vmem>>, vector<1x32xf32>
    %add3A_56 = vector.broadcast %get3A_55 : vector<1x32xf32> to vector<1000x32xf32>
    %add3A_57 = arith.addf %add3A_52, %add3A_56 : vector<1000x32xf32>
    %max3A_58 = arith.constant 0.000000e+00 : f32
    %max3A_59 = vector.broadcast %max3A_58 : f32 to vector<1000x32xf32>
    %max3A_60 = arith.maximumf %add3A_57, %max3A_59 : vector<1000x32xf32>
    %swap3A = arith.constant 0 : index
    %swap3A_61 = arith.constant 0 : index
    %swap3A_62 = vector.load %arg14[%swap3A, %swap3A_61] : memref<1000x32xf32, #tpu.memory_space<vmem>>, vector<1000x32xf32>
    tpu.vector_store %arg14[%swap3A, %swap3A_61], %max3A_60 {strides = array<i32>} : memref<1000x32xf32, #tpu.memory_space<vmem>>, vector<1000x32xf32>,
    return
  }
  func.func @transform_0(%arg0: i32) -> (i32, i32) {
    %add3A = arith.constant 0 : i32
    %add3A_0 = arith.addi %arg0, %add3A : i32
    %c0_i32 = arith.constant 0 : i32
    %c0_i32_1 = arith.constant 0 : i32
    return %add3A_0, %c0_i32 : i32, i32
  }
  func.func @transform_1(%arg0: i32) -> (i32, i32) {
    %add3A = arith.constant 10 : i32
    %add3A_0 = arith.addi %arg0, %add3A : i32
    %c0_i32 = arith.constant 0 : i32
    %c0_i32_1 = arith.constant 0 : i32
    return %add3A_0, %c0_i32 : i32, i32
  }
  func.func @transform_2(%arg0: i32) -> (i32, i32) {
    %add3A = arith.constant 20 : i32
    %add3A_0 = arith.addi %arg0, %add3A : i32
    %c0_i32 = arith.constant 0 : i32
    %c0_i32_1 = arith.constant 0 : i32
    return %add3A_0, %c0_i32 : i32, i32
  }
  func.func @transform_3(%arg0: i32) -> (i32, i32) {
    %add3A = arith.constant 30 : i32
    %add3A_0 = arith.addi %arg0, %add3A : i32
    %c0_i32 = arith.constant 0 : i32
    %c0_i32_1 = arith.constant 0 : i32
    return %add3A_0, %c0_i32 : i32, i32
  }
  func.func @transform_4(%arg0: i32) -> (i32, i32) {
    %add3A = arith.constant 0 : i32
    %add3A_0 = arith.addi %arg0, %add3A : i32
    %c0_i32 = arith.constant 0 : i32
    %c0_i32_1 = arith.constant 0 : i32
    return %add3A_0, %c0_i32 : i32, i32
  }
  func.func @transform_5(%arg0: i32) -> (i32, i32) {
    %add3A = arith.constant 10 : i32
    %add3A_0 = arith.addi %arg0, %add3A : i32
    %c0_i32 = arith.constant 0 : i32
    %c0_i32_1 = arith.constant 0 : i32
    return %add3A_0, %c0_i32 : i32, i32
  }
  func.func @transform_6(%arg0: i32) -> (i32, i32) {
    %add3A = arith.constant 20 : i32
    %add3A_0 = arith.addi %arg0, %add3A : i32
    %c0_i32 = arith.constant 0 : i32
    %c0_i32_1 = arith.constant 0 : i32
    return %add3A_0, %c0_i32 : i32, i32
  }
  func.func @transform_7(%arg0: i32) -> (i32, i32) {
    %add3A = arith.constant 30 : i32
    %add3A_0 = arith.addi %arg0, %add3A : i32
    %c0_i32 = arith.constant 0 : i32
    %c0_i32_1 = arith.constant 0 : i32
    return %add3A_0, %c0_i32 : i32, i32
  }
  func.func @transform_8(%arg0: i32) -> (i32, i32) {
    %c0_i32 = arith.constant 0 : i32
    %c0_i32_0 = arith.constant 0 : i32
    return %arg0, %c0_i32 : i32, i32
  }
  func.func @transform_9(%arg0: i32) -> (i32, i32) {
    %c0_i32 = arith.constant 0 : i32
    %c0_i32_0 = arith.constant 0 : i32
    %c0_i32_1 = arith.constant 0 : i32
    return %c0_i32, %c0_i32_0 : i32, i32
  }
  func.func @transform_10(%arg0: i32) -> (i32, i32) {
    %c0_i32 = arith.constant 0 : i32
    %c0_i32_0 = arith.constant 0 : i32
    %c0_i32_1 = arith.constant 0 : i32
    return %c0_i32, %c0_i32_0 : i32, i32
  }
  func.func @transform_11(%arg0: i32) -> (i32, i32) {
    %c0_i32 = arith.constant 0 : i32
    %c0_i32_0 = arith.constant 0 : i32
    %c0_i32_1 = arith.constant 0 : i32
    return %c0_i32, %c0_i32_0 : i32, i32
  }
  func.func @transform_12(%arg0: i32) -> (i32, i32) {
    %c0_i32 = arith.constant 0 : i32
    %c0_i32_0 = arith.constant 0 : i32
    %c0_i32_1 = arith.constant 0 : i32
    return %c0_i32, %c0_i32_0 : i32, i32
  }
  func.func @transform_13(%arg0: i32) -> (i32, i32) {
    %c0_i32 = arith.constant 0 : i32
    %c0_i32_0 = arith.constant 0 : i32
    return %arg0, %c0_i32 : i32, i32
  }
}

module attributes {stable_mosaic.version = 14 : i64} {
  func.func @_post_body(%arg0: i32, %arg1: memref<1000x32xf32, #tpu.memory_space<vmem>>, %arg2: memref<1000x32xf32, #tpu.memory_space<vmem>>, %arg3: memref<1000x32xf32, #tpu.memory_space<vmem>>, %arg4: memref<1000x32xf32, #tpu.memory_space<vmem>>, %arg5: memref<1000x16xf32, #tpu.memory_space<vmem>>, %arg6: memref<1000x16xf32, #tpu.memory_space<vmem>>, %arg7: memref<1000x16xf32, #tpu.memory_space<vmem>>, %arg8: memref<1000x16xf32, #tpu.memory_space<vmem>>, %arg9: memref<1000x32xf32, #tpu.memory_space<vmem>>, %arg10: memref<32x128xf32, #tpu.memory_space<vmem>>, %arg11: memref<32x128xf32, #tpu.memory_space<vmem>>, %arg12: memref<32x128xf32, #tpu.memory_space<vmem>>, %arg13: memref<1x128xf32, #tpu.memory_space<vmem>>, %arg14: memref<1000x128xf32, #tpu.memory_space<vmem>>) attributes {dimension_semantics = [#tpu.dimension_semantics<arbitrary>], iteration_bounds = array<i64: 10>, scalar_prefetch = 0 : i64, scratch_operands = 0 : i64, tpu.core_type = #tpu.core_type<tc>, window_params = [{transform_indices = @transform_0, window_bounds = array<i64: 1000, 32>}, {transform_indices = @transform_1, window_bounds = array<i64: 1000, 32>}, {transform_indices = @transform_2, window_bounds = array<i64: 1000, 32>}, {transform_indices = @transform_3, window_bounds = array<i64: 1000, 32>}, {transform_indices = @transform_4, window_bounds = array<i64: 1000, 16>}, {transform_indices = @transform_5, window_bounds = array<i64: 1000, 16>}, {transform_indices = @transform_6, window_bounds = array<i64: 1000, 16>}, {transform_indices = @transform_7, window_bounds = array<i64: 1000, 16>}, {transform_indices = @transform_8, window_bounds = array<i64: 1000, 32>}, {pipeline_mode = #tpu.pipeline_mode<synchronous>, transform_indices = @transform_9, window_bounds = array<i64: 32, 128>}, {pipeline_mode = #tpu.pipeline_mode<synchronous>, transform_indices = @transform_10, window_bounds = array<i64: 32, 128>}, {pipeline_mode = #tpu.pipeline_mode<synchronous>, transform_indices = @transform_11, window_bounds = array<i64: 32, 128>}, {pipeline_mode = #tpu.pipeline_mode<synchronous>, transform_indices = @transform_12, window_bounds = array<i64: 1, 128>}, {transform_indices = @transform_13, window_bounds = array<i64: 1000, 128>}]} {
    %get3A = arith.constant 0 : index
    %get3A_0 = arith.constant 0 : index
    %get3A_1 = vector.load %arg5[%get3A, %get3A_0] : memref<1000x16xf32, #tpu.memory_space<vmem>>, vector<1000x1xf32>
    %get3A_2 = arith.constant 0 : index
    %get3A_3 = arith.constant 0 : index
    %get3A_4 = vector.load %arg7[%get3A_2, %get3A_3] : memref<1000x16xf32, #tpu.memory_space<vmem>>, vector<1000x1xf32>
    %add3A = arith.addf %get3A_1, %get3A_4 : vector<1000x1xf32>
    %max3A = arith.constant 1.000000e+00 : f32
    %max3A_5 = vector.broadcast %max3A : f32 to vector<1000x1xf32>
    %max3A_6 = arith.maximumf %add3A, %max3A_5 : vector<1000x1xf32>
    %get3A_7 = arith.constant 0 : index
    %get3A_8 = arith.constant 0 : index
    %get3A_9 = vector.load %arg6[%get3A_7, %get3A_8] : memref<1000x16xf32, #tpu.memory_space<vmem>>, vector<1000x1xf32>
    %get3A_10 = arith.constant 0 : index
    %get3A_11 = arith.constant 0 : index
    %get3A_12 = vector.load %arg8[%get3A_10, %get3A_11] : memref<1000x16xf32, #tpu.memory_space<vmem>>, vector<1000x1xf32>
    %add3A_13 = arith.addf %get3A_9, %get3A_12 : vector<1000x1xf32>
    %max3A_14 = arith.constant 1.000000e+00 : f32
    %max3A_15 = vector.broadcast %max3A_14 : f32 to vector<1000x1xf32>
    %max3A_16 = arith.maximumf %add3A_13, %max3A_15 : vector<1000x1xf32>
    %get3A_17 = arith.constant 0 : index
    %get3A_18 = arith.constant 0 : index
    %get3A_19 = vector.load %arg1[%get3A_17, %get3A_18] : memref<1000x32xf32, #tpu.memory_space<vmem>>, vector<1000x32xf32>
    %get3A_20 = arith.constant 0 : index
    %get3A_21 = arith.constant 0 : index
    %get3A_22 = vector.load %arg3[%get3A_20, %get3A_21] : memref<1000x32xf32, #tpu.memory_space<vmem>>, vector<1000x32xf32>
    %add3A_23 = arith.addf %get3A_19, %get3A_22 : vector<1000x32xf32>
    %div3A = vector.broadcast %max3A_6 : vector<1000x1xf32> to vector<1000x32xf32>
    %div3A_24 = arith.divf %add3A_23, %div3A : vector<1000x32xf32>
    %get3A_25 = arith.constant 0 : index
    %get3A_26 = arith.constant 0 : index
    %get3A_27 = vector.load %arg2[%get3A_25, %get3A_26] : memref<1000x32xf32, #tpu.memory_space<vmem>>, vector<1000x32xf32>
    %get3A_28 = arith.constant 0 : index
    %get3A_29 = arith.constant 0 : index
    %get3A_30 = vector.load %arg4[%get3A_28, %get3A_29] : memref<1000x32xf32, #tpu.memory_space<vmem>>, vector<1000x32xf32>
    %add3A_31 = arith.addf %get3A_27, %get3A_30 : vector<1000x32xf32>
    %div3A_32 = vector.broadcast %max3A_16 : vector<1000x1xf32> to vector<1000x32xf32>
    %div3A_33 = arith.divf %add3A_31, %div3A_32 : vector<1000x32xf32>
    %get3A_34 = arith.constant 0 : index
    %get3A_35 = arith.constant 0 : index
    %get3A_36 = vector.load %arg10[%get3A_34, %get3A_35] : memref<32x128xf32, #tpu.memory_space<vmem>>, vector<32x128xf32>
    %dot_general3A = arith.constant dense<0.000000e+00> : vector<1000x128xf32>
    %dot_general3A_37 = tpu.matmul %div3A_24, %get3A_36, %dot_general3A {dimension_numbers = #tpu.dot_dimension_numbers<[1], [0], [0], [1], [0, 0, 1, 1], [], []>, transpose_lhs_hint = false} : vector<1000x32xf32>, vector<32x128xf32>, vector<1000x128xf32> -> vector<1000x128xf32>
    %get3A_38 = arith.constant 0 : index
    %get3A_39 = arith.constant 0 : index
    %get3A_40 = vector.load %arg11[%get3A_38, %get3A_39] : memref<32x128xf32, #tpu.memory_space<vmem>>, vector<32x128xf32>
    %dot_general3A_41 = arith.constant dense<0.000000e+00> : vector<1000x128xf32>
    %dot_general3A_42 = tpu.matmul %div3A_33, %get3A_40, %dot_general3A_41 {dimension_numbers = #tpu.dot_dimension_numbers<[1], [0], [0], [1], [0, 0, 1, 1], [], []>, transpose_lhs_hint = false} : vector<1000x32xf32>, vector<32x128xf32>, vector<1000x128xf32> -> vector<1000x128xf32>
    %add3A_43 = arith.addf %dot_general3A_37, %dot_general3A_42 : vector<1000x128xf32>
    %get3A_44 = arith.constant 0 : index
    %get3A_45 = arith.constant 0 : index
    %get3A_46 = vector.load %arg9[%get3A_44, %get3A_45] : memref<1000x32xf32, #tpu.memory_space<vmem>>, vector<1000x32xf32>
    %get3A_47 = arith.constant 0 : index
    %get3A_48 = arith.constant 0 : index
    %get3A_49 = vector.load %arg12[%get3A_47, %get3A_48] : memref<32x128xf32, #tpu.memory_space<vmem>>, vector<32x128xf32>
    %dot_general3A_50 = arith.constant dense<0.000000e+00> : vector<1000x128xf32>
    %dot_general3A_51 = tpu.matmul %get3A_46, %get3A_49, %dot_general3A_50 {dimension_numbers = #tpu.dot_dimension_numbers<[1], [0], [0], [1], [0, 0, 1, 1], [], []>, transpose_lhs_hint = false} : vector<1000x32xf32>, vector<32x128xf32>, vector<1000x128xf32> -> vector<1000x128xf32>
    %add3A_52 = arith.addf %add3A_43, %dot_general3A_51 : vector<1000x128xf32>
    %get3A_53 = arith.constant 0 : index
    %get3A_54 = arith.constant 0 : index
    %get3A_55 = vector.load %arg13[%get3A_53, %get3A_54] : memref<1x128xf32, #tpu.memory_space<vmem>>, vector<1x128xf32>
    %add3A_56 = vector.broadcast %get3A_55 : vector<1x128xf32> to vector<1000x128xf32>
    %add3A_57 = arith.addf %add3A_52, %add3A_56 : vector<1000x128xf32>
    %max3A_58 = arith.constant 0.000000e+00 : f32
    %max3A_59 = vector.broadcast %max3A_58 : f32 to vector<1000x128xf32>
    %max3A_60 = arith.maximumf %add3A_57, %max3A_59 : vector<1000x128xf32>
    %swap3A = arith.constant 0 : index
    %swap3A_61 = arith.constant 0 : index
    %swap3A_62 = vector.load %arg14[%swap3A, %swap3A_61] : memref<1000x128xf32, #tpu.memory_space<vmem>>, vector<1000x128xf32>
    tpu.vector_store %arg14[%swap3A, %swap3A_61], %max3A_60 {strides = array<i32>} : memref<1000x128xf32, #tpu.memory_space<vmem>>, vector<1000x128xf32>,
    return
  }
  func.func @transform_0(%arg0: i32) -> (i32, i32) {
    %add3A = arith.constant 0 : i32
    %add3A_0 = arith.addi %arg0, %add3A : i32
    %c0_i32 = arith.constant 0 : i32
    %c0_i32_1 = arith.constant 0 : i32
    return %add3A_0, %c0_i32 : i32, i32
  }
  func.func @transform_1(%arg0: i32) -> (i32, i32) {
    %add3A = arith.constant 10 : i32
    %add3A_0 = arith.addi %arg0, %add3A : i32
    %c0_i32 = arith.constant 0 : i32
    %c0_i32_1 = arith.constant 0 : i32
    return %add3A_0, %c0_i32 : i32, i32
  }
  func.func @transform_2(%arg0: i32) -> (i32, i32) {
    %add3A = arith.constant 20 : i32
    %add3A_0 = arith.addi %arg0, %add3A : i32
    %c0_i32 = arith.constant 0 : i32
    %c0_i32_1 = arith.constant 0 : i32
    return %add3A_0, %c0_i32 : i32, i32
  }
  func.func @transform_3(%arg0: i32) -> (i32, i32) {
    %add3A = arith.constant 30 : i32
    %add3A_0 = arith.addi %arg0, %add3A : i32
    %c0_i32 = arith.constant 0 : i32
    %c0_i32_1 = arith.constant 0 : i32
    return %add3A_0, %c0_i32 : i32, i32
  }
  func.func @transform_4(%arg0: i32) -> (i32, i32) {
    %add3A = arith.constant 0 : i32
    %add3A_0 = arith.addi %arg0, %add3A : i32
    %c0_i32 = arith.constant 0 : i32
    %c0_i32_1 = arith.constant 0 : i32
    return %add3A_0, %c0_i32 : i32, i32
  }
  func.func @transform_5(%arg0: i32) -> (i32, i32) {
    %add3A = arith.constant 10 : i32
    %add3A_0 = arith.addi %arg0, %add3A : i32
    %c0_i32 = arith.constant 0 : i32
    %c0_i32_1 = arith.constant 0 : i32
    return %add3A_0, %c0_i32 : i32, i32
  }
  func.func @transform_6(%arg0: i32) -> (i32, i32) {
    %add3A = arith.constant 20 : i32
    %add3A_0 = arith.addi %arg0, %add3A : i32
    %c0_i32 = arith.constant 0 : i32
    %c0_i32_1 = arith.constant 0 : i32
    return %add3A_0, %c0_i32 : i32, i32
  }
  func.func @transform_7(%arg0: i32) -> (i32, i32) {
    %add3A = arith.constant 30 : i32
    %add3A_0 = arith.addi %arg0, %add3A : i32
    %c0_i32 = arith.constant 0 : i32
    %c0_i32_1 = arith.constant 0 : i32
    return %add3A_0, %c0_i32 : i32, i32
  }
  func.func @transform_8(%arg0: i32) -> (i32, i32) {
    %c0_i32 = arith.constant 0 : i32
    %c0_i32_0 = arith.constant 0 : i32
    return %arg0, %c0_i32 : i32, i32
  }
  func.func @transform_9(%arg0: i32) -> (i32, i32) {
    %c0_i32 = arith.constant 0 : i32
    %c0_i32_0 = arith.constant 0 : i32
    %c0_i32_1 = arith.constant 0 : i32
    return %c0_i32, %c0_i32_0 : i32, i32
  }
  func.func @transform_10(%arg0: i32) -> (i32, i32) {
    %c0_i32 = arith.constant 0 : i32
    %c0_i32_0 = arith.constant 0 : i32
    %c0_i32_1 = arith.constant 0 : i32
    return %c0_i32, %c0_i32_0 : i32, i32
  }
  func.func @transform_11(%arg0: i32) -> (i32, i32) {
    %c0_i32 = arith.constant 0 : i32
    %c0_i32_0 = arith.constant 0 : i32
    %c0_i32_1 = arith.constant 0 : i32
    return %c0_i32, %c0_i32_0 : i32, i32
  }
  func.func @transform_12(%arg0: i32) -> (i32, i32) {
    %c0_i32 = arith.constant 0 : i32
    %c0_i32_0 = arith.constant 0 : i32
    %c0_i32_1 = arith.constant 0 : i32
    return %c0_i32, %c0_i32_0 : i32, i32
  }
  func.func @transform_13(%arg0: i32) -> (i32, i32) {
    %c0_i32 = arith.constant 0 : i32
    %c0_i32_0 = arith.constant 0 : i32
    return %arg0, %c0_i32 : i32, i32
  }
}

</mosaic_0001>

<sc_bundles>
// kernel: kernel.11.cloned.1.call-start
scs
__scs_entry_jumppad:
0x0: {  	(pc) =	sbr.rel $0x88, $3  }
0x1: {  	(tag) =	ssettag $0x0;
	lr =	simm.s32 $0x1  }
0x2: {  	[smem:$0x3F8C] =	sst lr;
	_ =	strace $0xD0000000  }
0x3: {  	_ = 	snop  }
0x4: {  	_ = 	snop  }
0x5: {  	_ = 	snop  }
0x6: {  	_ = 	snop  }
0x7: {  	_ = 	snop  }
__scs_overlays_trampoline_lowered:
0x8: {  	[smem:$0x3F9B] =	sst s0  }
0x9: {  	[smem:$0x3F9C] =	sst s1  }
0xa: {  	[smem:$0x3F9D] =	sst s2  }
0xb: {  	[smem:$0x3F9E] =	sst s3  }
0xc: {  	[smem:$0x3F9F] =	sst s4  }
0xd: {  	[smem:$0x3FA0] =	sst s5  }
0xe: {  	[smem:$0x3FA1] =	sst s6  }
0xf: {  	[smem:$0x3FA2] =	sst s7  }
0x10: {  	[smem:$0x3FA3] =	sst s8  }
0x11: {  	[smem:$0x3FA4] =	sst s9;
	s0 =	simm.s32 @!p0 $0x0  }
0x12: {  	s1 =	sld [smem:$0x3F8A];
	s0 =	simm.s32 @p0 $0x1  }
0x13: {  	[smem:$0x3FA5] =	sst s0;
	s0 =	simm.s32 @!p1 $0x0  }
0x14: {  	s2 =	sld [smem:$0x3F89];
	s0 =	simm.s32 @p1 $0x1  }
0x15: {  	[smem:$0x3FA6] =	sst s0;
	s0 =	simm.s32 @!p2 $0x0  }
0x16: {  	s3 =	sld [smem:$0x3FDB];
	s0 =	simm.s32 @p2 $0x1  }
0x17: {  	s4 =	simm.s32 $0x1BF5;
	[smem:$0x3FA8] =	sst s0  }
0x18: {  	s0 =	sld [smem:$0x3F8B];
	_ =	swait.ge [sflag:s4], $0x0  }
0x19: {  	s7 =	sld [smem:$0x3F8C]  }
0x1a: {  	s8 =	sadd.s32 $0xFFFFE003, lr  }
0x1b: {  	s9 =	sadd.s32 $0xFFFFFEF7, lr;
	s5 =	simm.s32 $0xFFFFFFFF;
	p2 =	slt.u32 s8, $0xFFFFF086  }
0x1c: {  	p1 =	slt.u32 s9, $0xF7A;
	s5 =	simm.s32 @!p2 $0x0  }
0x1d: {  	s5 =	simm.s32 @p1 $0x1;
	p0 =	seq.s32 s7, s2  }
0x1e: {  	s7 =	smul.u32 @!p0 $0xF7A, s2;
	p2 =	seq.s32 @!p0 s5, $0x0  }
0x1f: {  	s9 =	smul.u32 $0xF7A, s1;
	s8 =	simm.s32 @!p0 $0x1BF5;
	p2 =	por !p2, p0  }
0x20: {  	[sflag:s8] =	ssyncset.s32 @!p0 $0xFFFFF086;
	s6 =	sadd.s32 @!p0 s3, s7;
	s7 =	simm.s32 @!p0 $0x108  }
0x21: {  	s3 =	sadd.s32 s3, s9;
	s6 =	sadd.s32 @!p0 $0x88, s6;
	s7 =	simm.s32 @p2 $0x1082  }
0x22: {  	[simem:s7], [sflag:s8] =	dma.local @!p0 [hbm:s6], $0xF7A  }
0x23: {  	s9 =	sor.u32 $0xD0000000, s2;
	s6 =	simm.s32 $0x108;
	_ =	swait.ge @!p0 [sflag:s8], $0x0  }
0x24: {  	s3 =	sadd.s32 $0x88, s3;
	s6 =	simm.s32 @!p1 $0x1082;
	[sflag:s4] =	ssyncset.s32 $0xFFFFF086  }
0x25: {  	[simem:s6], [sflag:s4] =	dma.local [hbm:s3], $0xF7A  }
0x26: {  	[smem:$0x3F8C] =	sst s1;
	(tag) =	ssettag s2;
	_ =	strace s9  }
0x27: {  	s1 =	sld [smem:$0x3F9C]  }
0x28: {  	s2 =	sld [smem:$0x3F9D]  }
0x29: {  	s4 =	sld [smem:$0x3F9F]  }
0x2a: {  	p0 =	seq.s32 s5, $0x0;
	s5 =	sld [smem:$0x3FA0]  }
0x2b: {  	s6 =	sld [smem:$0x3FA1]  }
0x2c: {  	s7 =	sld [smem:$0x3FA2]  }
0x2d: {  	s3 =	simm.s32 $0x108;
	s8 =	sld [smem:$0x3FA3]  }
0x2e: {  	s3 =	simm.s32 @!p0 $0x1082;
	s9 =	sld [smem:$0x3FA4]  }
0x2f: {  	lr =	sadd.s32 s0, s3;
	s0 =	sld [smem:$0x3F9B]  }
0x30: {  	s3 =	sld [smem:$0x3F9E]  }
0x31: {  	[smem:$0x3FA7] =	sst s10  }
0x32: {  	s10 =	sld [smem:$0x3FA5];
	_ =	sdelay $0x3  }
0x33: {  	p0 =	seq.s32 s10, $0x1;
	s10 =	sld [smem:$0x3FA7];
	_ =	sdelay $0x3  }
0x34: {  	[smem:$0x3FA7] =	sst s10  }
0x35: {  	s10 =	sld [smem:$0x3FA6];
	_ =	sdelay $0x3  }
0x36: {  	p1 =	seq.s32 s10, $0x1;
	s10 =	sld [smem:$0x3FA7];
	_ =	sdelay $0x3  }
0x37: {  	[smem:$0x3FA7] =	sst s10  }
0x38: {  	s10 =	sld [smem:$0x3FA8]  }
0x39: {  	_ = 	snop;
	(pc) =	sbr.ind lr, $3  }
0x3a: {  	_ = 	snop  }
0x3b: {  	_ = 	snop  }
0x3c: {  	p2 =	seq.s32 s10, $0x1;
	s10 =	sld [smem:$0x3FA7]  }
0x3d: {  	_ =	shalt  }
0x3e: {  	_ =	shalt  }
0x3f: {  	_ =	shalt  }
0x40: {  	_ =	shalt  }
0x41: {  	_ =	shalt  }
0x42: {  	_ =	shalt  }
0x43: {  	_ =	shalt  }
0x44: {  	_ =	shalt  }
0x45: {  	_ =	shalt  }
0x46: {  	_ =	shalt  }
0x47: {  	_ =	shalt  }
0x48: {  	_ =	shalt  }
0x49: {  	_ =	shalt  }
0x4a: {  	_ =	shalt  }
0x4b: {  	_ =	shalt  }
0x4c: {  	_ =	shalt  }
0x4d: {  	_ =	shalt  }
0x4e: {  	_ =	shalt  }
0x4f: {  	_ =	shalt  }
0x50: {  	_ =	shalt  }
0x51: {  	_ =	shalt  }
0x52: {  	_ =	shalt  }
0x53: {  	_ =	shalt  }
0x54: {  	_ =	shalt  }
0x55: {  	_ =	shalt  }
0x56: {  	_ =	shalt  }
0x57: {  	_ =	shalt  }
0x58: {  	_ =	shalt  }
0x59: {  	_ =	shalt  }
0x5a: {  	_ =	shalt  }
0x5b: {  	_ =	shalt  }
0x5c: {  	_ =	shalt  }
0x5d: {  	_ =	shalt  }
0x5e: {  	_ =	shalt  }
0x5f: {  	_ =	shalt  }
0x60: {  	_ =	shalt  }
0x61: {  	_ =	shalt  }
0x62: {  	_ =	shalt  }
0x63: {  	_ =	shalt  }
0x64: {  	_ =	shalt  }
0x65: {  	_ =	shalt  }
0x66: {  	_ =	shalt  }
0x67: {  	_ =	shalt  }
0x68: {  	_ =	shalt  }
0x69: {  	_ =	shalt  }
0x6a: {  	_ =	shalt  }
0x6b: {  	_ =	shalt  }
0x6c: {  	_ =	shalt  }
0x6d: {  	_ =	shalt  }
0x6e: {  	_ =	shalt  }
0x6f: {  	_ =	shalt  }
0x70: {  	_ =	shalt  }
0x71: {  	_ =	shalt  }
0x72: {  	_ =	shalt  }
0x73: {  	_ =	shalt  }
0x74: {  	_ =	shalt  }
0x75: {  	_ =	shalt  }
0x76: {  	_ =	shalt  }
0x77: {  	_ =	shalt  }
0x78: {  	_ =	shalt  }
0x79: {  	_ =	shalt  }
0x7a: {  	_ =	shalt  }
0x7b: {  	_ =	shalt  }
0x7c: {  	_ =	shalt  }
0x7d: {  	_ =	shalt  }
0x7e: {  	_ =	shalt  }
0x7f: {  	_ =	shalt  }
0x80: {  	_ =	shalt  }
0x81: {  	_ =	shalt  }
0x82: {  	_ =	shalt  }
0x83: {  	_ =	shalt  }
0x84: {  	_ =	shalt  }
0x85: {  	_ =	shalt  }
0x86: {  	_ =	shalt  }
0x87: {  	_ =	shalt  }
.Lfunc_end0:
.L_simem_size_0:
called_computation_lowered:
.L_overlay_start_0:
0x88: {  	s2 =	sld [smem:$0x3FD9]  }
0x89: {  	s3 =	sld [smem:$0x3FFE];
	_ =	sdelay $0x1  }
0x8a: {  	s1 =	srdreg.scid  }
0x8b: {  	s0 =	sand.u32 $0x1, s1  }
0x8c: {  	s17 =	sshll.u32 s0, $0xA;
	s2 =	sadd.s32 s3, s2  }
0x8d: {  	s2 =	sadd.s32 s2, s17  }
0x8e: {  	[smem:$0x3FB3] =	sst s2  }
0x8f: {  	_ = 	snop  }
0x90: {  	s2 =	sld [smem:$0x3FD0];
	(tm) =	ssettm $0x1  }
0x91: {  	s18 =	sld [smem:$0x3FFB];
	_ =	sdelay $0x3  }
0x92: {  	_ =	strace s18  }
0x93: {  	s3 =	sld [smem:$0x3FFC];
	_ =	sdelay $0x3  }
0x94: {  	_ =	strace s3  }
0x95: {  	s3 =	sld [smem:$0x3FFD];
	_ =	sdelay $0x3  }
0x96: {  	_ =	strace s3  }
0x97: {  	_ =	strace $0x8FFFFFFF  }
0x98: {  	s19 =	sld [smem:$0x3FDB];
	_ =	sdelay $0x1  }
0x99: {  	s4 =	simm.s32 $_scs_section_size  }
0x9a: {  	s5 =	simm.s32 $_size__tile_overlayer_lowered;
	s6 =	simm.s32 $_tile_overlayer_lowered  }
0x9b: {  	s22 =	simm.s32 $0x1BFF;
	s21 =	sshll.u32 s6, $0x1;
	s3 =	sadd.s32 s4, s19  }
0x9c: {  	s7 =	simm.s32 $0x0;
	s20 =	sshll.u32 s5, $0x1;
	s5 =	sadd.s32 s21, s3  }
0x9d: {  	[timem:s7], [sflag:s22] =	dma.local [hbm:s5], s20  }
0x9e: {  	_ =	swait.ge [sflag:s22], s20  }
0x9f: {  	s4 =	ssub.s32 $0x0, s20;
	[sflag:s22] =	ssyncset.done $0x0  }
0xa0: {  	[sflag:s22] =	ssyncadd.s32 s4;
	_ =	sdelay $0x1  }
0xa1: {  	s23 =	simm.s32 $0x1B8B  }
0xa2: {  	_ =	swait.ge [sflag:s23], $0x1  }
0xa3: {  	[sflag:s23] =	ssyncset.done $0x0  }
0xa4: {  	s25 =	simm.s32 $0x1B8E;
	s24 =	sld [smem:$0x3FFE];
	[sflag:s23] =	ssyncadd.s32 $0xFFFFFFFF  }
0xa5: {  	s26 =	simm.s32 $execute0_lowered;
	[smem:$0x3FD2] =	sst s25  }
0xa6: {  	s5 =	sshll.u32 s26, $0x1;
	_ =	strace $0x80000046;
	[dreg:$0x1] =	wrdreg $0xFFFFFFFF  }
0xa7: {  	s28 =	simm.s32 $_size_execute0_lowered;
	s3 =	sadd.s32 s3, s5;
	[dreg:$0x0] =	wrdreg $0x0  }
0xa8: {  	s5 =	sshll.u32 s28, $0x1;
	[dreg:$0x2] =	wrdreg s3  }
0xa9: {  	[dreg:$0x3] =	wrdreg s5  }
0xaa: {  	[dreg:$0x4] =	wrdreg $0xC0  }
0xab: {  	_ =	task [dreg:s7], $0x5FFFF  }
0xac: {  	[dreg:$0x1] =	wrdreg $0xFFFFFFFF  }
0xad: {  	[dreg:$0x0] =	wrdreg $0x60  }
0xae: {  	[dreg:$0x2] =	wrdreg s24  }
0xaf: {  	[dreg:$0x3] =	wrdreg s2  }
0xb0: {  	[dreg:$0x4] =	wrdreg $0x109A00  }
0xb1: {  	[dreg:$0x5] =	wrdreg $0x1A5E00  }
0xb2: {  	[dreg:$0x6] =	wrdreg $0x9  }
0xb3: {  	_ =	task.clear_ibuf [dreg:s7], $0x7FFFF;
	_ =	strace $0x90000046  }
0xb4: {  	s29 =	simm.s32 $0x9;
	_ =	strace $0x80000048  }
0xb5: {  	_ =	swait.ge [sflag:s29], $0x1  }
0xb6: {  	[sflag:s29] =	ssyncadd.s32 $0xFFFFFFFF  }
0xb7: {  	_ =	strace $0x90000048  }
0xb8: {  	_ =	sfence  }
0xb9: {  	s30 =	sld [smem:$0x0];
	_ =	sdelay $0x2  }
0xba: {  	s31 =	sshll.u32 s1, $0xD;
	s1 =	sshrl.u32 s1, $0x2  }
0xbb: {  	s3 =	sand.u32 $0x4000, s31;
	s1 =	sadd.s32 s1, s30  }
0xbc: {  	s0 =	sor.u32 s3, s0;
	s1 =	sshll.u32 s1, $0x11  }
0xbd: {  	s0 =	sor.u32 s1, s0  }
0xbe: {  	s0 =	sadd.s32 $0x8F2B, s0  }
0xbf: {  	[sflag:s0] =	ssyncadd.remote.s32 $0x1  }
0xc0: {  	_ =	sfence.sel $0xFFFF  }
0xc1: {  	[dreg:$0x0] =	wrdreg $0xFFFFFFFF;
	(pc) =	sbr.abs _section_cstart, $3  }
0xc2: {  	[dreg:$0x1] =	wrdreg $0xFFFFFFFF  }
0xc3: {  	_ =	task.clear_ibuf [dreg:s7], $0x2FFFF;
	_ =	strace $0x9FFFFFFF  }
0xc4: {  	(tm) =	ssettm $0x7FFFFFFF  }
0xc5: {  	_ =	shalt  }
tec
execute0_lowered:
.L_overlay_start_1:
0x0: {  	(tag) =	ssettag $0x1  }
0x1: {  	s9 =	rddreg [dreg:$0x0]  }
0x2: {  	s14 =	rddreg [dreg:$0x1]  }
0x3: {  	s1 =	rddreg [dreg:$0x2]  }
0x4: {  	s2 =	rddreg [dreg:$0x3]  }
0x5: {  	s3 =	srdreg.scid;
	s0 =	rddreg [dreg:$0x4];
	s4 =	simm.s32 $0x0  }
0x6: {  	s19 =	simm.s32 $0xA0;
	s20 =	simm.s32 $0xAA0;
	s21 =	simm.s32 $0x1  }
0x7: {  	s22 =	simm.s32 $0x2;
	s10 =	sand.u32 $0x1, s3;
	s3 =	stileid.u32  }
0x8: {  	s23 =	simm.s32 $0xB4A0;
	[smem:$0x7FF] =	sst s4;
	s7 =	smul.u32 $0x4E20, s10  }
0x9: {  	s5 =	sadd.s32 $0x22400, s9;
	s6 =	sadd.s32 $0x18600, s9;
	s8 =	smul.u32 $0x4E0, s3  }
0xa: {  	_ =	strace $0x80000047;
	s26 =	ssub.s32 $0x2, s10;
	s28 =	smul.u32 $0x27000, s3  }
0xb: {  	s16 =	sshll.u32 s3, $0x1;
	s17 =	smul.u32 $0x13800, s3;
	p0 =	seq.s32 s3, $0xF  }
0xc: {  	s12 =	sshrl.u32 s26, $0x1;
	s16 =	sor.u32 s10, s16;
	s10 =	sadd.s32 $0x92400, s1  }
0xd: {  	s13 =	sadd.s32 s8, s7;
	s7 =	sadd.s32 $0x4C00, s9;
	s8 =	sadd.s32 $0x52E00, s9  }
0xe: {  	s18 =	ssub.s32 s26, s12;
	s29 =	sshrl.u32 s28, $0x2;
	s30 =	sshrl.u32 s17, $0x2  }
0xf: {  	s12 =	sadd.s32 $0x49200, s2;
	s17 =	simm.s32 $0x3;
	s11 =	sshll.u32 s13, $0x1  }
0x10: {  	s31 =	sshll.u32 s13, $0x2;
	s13 =	smul.u32 $0x2710, s16;
	s16 =	smax.u32 s18, $0x1  }
0x11: {  	v0 =	vimm.f32 $0.0e+00;
	vm0 =	vcmask $0x300;
	s18 =	simm.s32 $0x50;
	s15 =	sadd.s32 s11, s9;
	s9 =	sadd.s32 s29, s1  }
0x12: {  	v1 =	vsel vm0, $0x3F800000, v0;
	s11 =	sadd.s32 s30, s2;
	s14 =	sadd.s32 s14, s31;
	s15 =	sadd.s32 $0x2C200, s15  }
.LBB2_1:
0x13: {  	s24 =	simm.s32 $0x80;
	s25 =	simm.s32 $0x0  }
.LBB2_2:
0x14: {  	p1 =	sne.s32 s24, $0x27F80;
	[tilespmem:s25+$0x14A0] =	vst v0;
	s26 =	smov.u32 s24;
	s24 =	sadd.s32 $0x80, s24  }
.Ltmp0:
0x15: {  	[tilespmem:s25+$0x14B0] =	vst v0;
	(pc) =	sbr.rel @p1 .LBB2_2-.Ltmp0, $2  }
0x16: {  	_ =	sdelay $0x2  }
0x17: {  	s25 =	sshra.s32 s26, $0x2  }
0x18: {  	[tilespmem:s25+$0x14A0] =	vst v0  }
0x19: {  	[tilespmem:s25+$0x14B0] =	vst v0;
	s24 =	simm.s32 @p0 $0x14A0  }
0x1a: {  	[spmem:s10] =	stream.linear.scatter @p0 [tilespmem:s24], [sflag:$0x3], $0xA000, $0x38;
	[tilespmem:$0x1F400] =	vst v63  }
0x1b: {  	s24 =	simm.s32 @p0 $0x3  }
0x1c: {  	_ =	swait.ge @p0 [sflag:s24], $0xA000  }
0x1d: {  	[sflag:s24] =	ssyncset.done @p0 $0x0  }
0x1e: {  	[sflag:s24] =	ssyncadd.s32 @p0 $0xFFFF6000;
	s24 =	simm.s32 @!p0 $0x14A0  }
0x1f: {  	[spmem:s9] =	stream.linear.scatter @!p0 [tilespmem:s24], [sflag:$0x3], $0x9C00, $0x38;
	[tilespmem:$0x1F400] =	vst v63  }
0x20: {  	s24 =	simm.s32 @!p0 $0x3  }
0x21: {  	_ =	swait.ge @!p0 [sflag:s24], $0x9C00  }
0x22: {  	[sflag:s24] =	ssyncset.done @!p0 $0x0  }
0x23: {  	s25 =	simm.s32 $0x0;
	[sflag:s24] =	ssyncadd.s32 @!p0 $0xFFFF6400;
	s24 =	simm.s32 $0x40  }
.LBB2_4:
0x24: {  	p1 =	sne.s32 s24, $0x13C0;
	[tilespmem:s25+$0xB4A0] =	vst v1;
	s25 =	smov.u32 s24;
	s24 =	sadd.s32 $0x40, s24  }
.Ltmp1:
0x25: {  	(pc) =	sbr.rel @p1 .LBB2_4-.Ltmp1, $2  }
0x26: {  	_ =	sdelay $0x2  }
0x27: {  	s25 =	sshra.s32 s25, $0x2  }
0x28: {  	[tilespmem:s25+$0xB4A0] =	vst v1;
	s24 =	simm.s32 $0x40;
	s25 =	simm.s32 $0x0  }
.LBB2_6:
0x29: {  	p1 =	sne.s32 s24, $0x13FC0;
	[tilespmem:s25+$0xB9A0] =	vst v0;
	s25 =	smov.u32 s24;
	s24 =	sadd.s32 $0x40, s24  }
.Ltmp2:
0x2a: {  	(pc) =	sbr.rel @p1 .LBB2_6-.Ltmp2, $2  }
0x2b: {  	_ =	sdelay $0x2  }
0x2c: {  	s25 =	sshra.s32 s25, $0x2  }
0x2d: {  	[tilespmem:s25+$0xB9A0] =	vst v0;
	s24 =	simm.s32 @p0 $0xB9A0  }
0x2e: {  	[spmem:s12] =	stream.linear.scatter @p0 [tilespmem:s24], [sflag:$0x3], $0x5000, $0x38;
	[tilespmem:$0x1F400] =	vst v63  }
0x2f: {  	s24 =	simm.s32 @p0 $0x3  }
0x30: {  	_ =	swait.ge @p0 [sflag:s24], $0x5000  }
0x31: {  	[sflag:s24] =	ssyncset.done @p0 $0x0  }
0x32: {  	[sflag:s24] =	ssyncadd.s32 @p0 $0xFFFFB000;
	s24 =	simm.s32 @!p0 $0xB9A0  }
0x33: {  	[spmem:s11] =	stream.linear.scatter @!p0 [tilespmem:s24], [sflag:$0x3], $0x4E00, $0x38;
	[tilespmem:$0x1F400] =	vst v63  }
0x34: {  	s24 =	simm.s32 @!p0 $0x3  }
0x35: {  	_ =	swait.ge @!p0 [sflag:s24], $0x4E00  }
0x36: {  	[sflag:s24] =	ssyncset.done @!p0 $0x0  }
0x37: {  	[sflag:s24] =	ssyncadd.s32 @!p0 $0xFFFFB200  }
0x38: {  	s25 =	simm.s32 $0x0;
	s24 =	simm.s32 $0x0;
	[bflag:$0x0] =	sbarrier.arrive $0xFFFF  }
.LBB2_8:
0x39: {  	s26 =	smul.u32 $0x50, s25;
	_ =	sdelay $0x1  }
0x3a: {  	s26 =	sadd.s32 s13, s26  }
0x3b: {  	s26 =	sshrl.u32 s26, $0x3  }
0x3c: {  	s28 =	sadd.s32 s5, s26  }
0x3d: {  	[tilespmem:s24], [sflag:$0x3] =	stream.linear.gather [hbm4b:s28+s24], $0x50, $0x38;
	[tilespmem:$0x1F400] =	vst v63  }
0x3e: {  	_ =	swait.ge [sflag:s17], $0x50  }
0x3f: {  	[sflag:s17] =	ssyncset.done $0x0  }
0x40: {  	s26 =	sadd.s32 s6, s26;
	[sflag:s17] =	ssyncadd.s32 $0xFFFFFFB0  }
0x41: {  	[tilespmem:s18], [sflag:$0x3] =	stream.linear.gather [hbm4b:s26+s24], $0x50, $0x38;
	[tilespmem:$0x1F400] =	vst v63  }
0x42: {  	_ =	swait.ge [sflag:s17], $0x50  }
0x43: {  	[sflag:s17] =	ssyncset.done $0x0  }
0x44: {  	[sflag:s17] =	ssyncadd.s32 $0xFFFFFFB0  }
0x45: {  	[tilespmem:s19], [sflag:$0x1] =	stream.indirect.gather [hbm4b:s7+s18], $0x20, s24, s18, $0xb8;
	[tilespmem:$0x1F400] =	vst v63  }
0x46: {  	_ = 	snop  }
0x47: {  	[tilespmem:s20], [sflag:$0x2] =	stream.indirect.gather [hbm4b:s8+s18], $0x20, s18, s18, $0xb8;
	[tilespmem:$0x1F400] =	vst v63  }
0x48: {  	_ =	swait.ge [sflag:s21], $0xA00  }
0x49: {  	[sflag:s21] =	ssyncset.done $0x0  }
0x4a: {  	[sflag:s21] =	ssyncadd.s32 $0xFFFFF600  }
0x4b: {  	_ =	swait.ge [sflag:s22], $0xA00  }
0x4c: {  	[sflag:s22] =	ssyncset.done $0x0  }
0x4d: {  	s26 =	simm.s32 $0x0;
	[sflag:s22] =	ssyncadd.s32 $0xFFFFF600  }
0x4e: {  	v2 =	vld [tilespmem:s26+$0xA0]  }
0x4f: {  	v3 =	vld [tilespmem:s26+$0xB0]  }
0x50: {  	s28 =	simm.s32 $0x80;
	v4 =	vld [tilespmem:s26+$0xAA0]  }
.LBB2_9:
0x51: {  	p1 =	sne.s32 s28, $0x2780;
	v5 =	vld [tilespmem:s26+$0xAB0];
	_ =	sdelay $0x3  }
.Ltmp3:
0x52: {  	v4 =	vadd.f32 v4, v2;
	(pc) =	sbr.rel @p1 .LBB2_9-.Ltmp3, $4  }
0x53: {  	s29 =	sshra.s32 s28, $0x2;
	v5 =	vadd.f32 v5, v3  }
0x54: {  	v2 =	vld [tilespmem:s29+$0xA0];
	v4 =	vmax.f32 v4, $0.0e+00  }
0x55: {  	v3 =	vld [tilespmem:s29+$0xB0];
	[tilespmem:s26+$0xAA0] =	vst v4;
	v5 =	vmax.f32 v5, $0.0e+00  }
0x56: {  	s28 =	sadd.s32 $0x80, s28;
	v4 =	vld [tilespmem:s29+$0xAA0];
	[tilespmem:s26+$0xAB0] =	vst v5;
	s26 =	smov.u32 s29  }
0x57: {  	v5 =	vld [tilespmem:s26+$0xAB0];
	_ =	sdelay $0x3  }
0x58: {  	v2 =	vadd.f32 v4, v2  }
0x59: {  	v3 =	vadd.f32 v5, v3  }
0x5a: {  	v2 =	vmax.f32 v2, $0.0e+00  }
0x5b: {  	[tilespmem:s26+$0xAA0] =	vst v2;
	v2 =	vmax.f32 v3, $0.0e+00  }
0x5c: {  	[tilespmem:s26+$0xAB0] =	vst v2  }
0x5d: {  	[spmem:s1] =	stream.indirect.scatter.add.f32 [tilespmem:s20], [sflag:$0x3], $0x20, s18, s18, $0xb8;
	[tilespmem:$0x1F400] =	vst v63  }
0x5e: {  	s25 =	sadd.s32 $0x1, s25;
	_ =	swait.ge [sflag:s17], $0xA00  }
0x5f: {  	p1 =	sne.s32 s25, $0x7D;
	[sflag:s17] =	ssyncset.done $0x0  }
.Ltmp4:
0x60: {  	[sflag:s17] =	ssyncadd.s32 $0xFFFFF600;
	(pc) =	sbr.rel @p1 .LBB2_8-.Ltmp4, $4  }
0x61: {  	[spmem:s2] =	stream.indirect.scatter.add.f32 [tilespmem:s23], [sflag:$0x3], $0x10, s18, s18, $0xb8;
	[tilespmem:$0x1F400] =	vst v63  }
0x62: {  	_ =	swait.ge [sflag:s17], $0x500  }
0x63: {  	[sflag:s17] =	ssyncset.done $0x0  }
0x64: {  	[sflag:s17] =	ssyncadd.s32 $0xFFFFFB00  }
0x65: {  	[bflag:$0x0] =	sbarrier.arrive $0xFFFF;
	s24 =	sshrl.u32 @p0 s10, $0x3;
	s25 =	simm.s32 @p0 $0x1FC3  }
0x66: {  	[hbm:s14], [sflag:s25] =	dma.local @p0 [spmem:s24], $0x1400  }
0x67: {  	s24 =	simm.s32 @p0 $0x3  }
0x68: {  	_ =	swait.ge @p0 [sflag:s24], $0x1400  }
0x69: {  	[sflag:s24] =	ssyncset.done @p0 $0x0  }
0x6a: {  	s26 =	sshrl.u32 @p0 s12, $0x3;
	[sflag:s24] =	ssyncadd.s32 @p0 $0xFFFFEC00  }
0x6b: {  	[hbm:s15], [sflag:s25] =	dma.local @p0 [spmem:s26], $0xA00  }
0x6c: {  	_ =	swait.ge @p0 [sflag:s24], $0xA00  }
0x6d: {  	s25 =	sshll.u32 @!p0 s3, $0x6;
	[sflag:s24] =	ssyncset.done @p0 $0x0  }
0x6e: {  	[sflag:s24] =	ssyncadd.s32 @p0 $0xFFFFF600;
	s24 =	sor.u32 @!p0 $0x1C03, s25;
	s25 =	sshrl.u32 @!p0 s9, $0x3  }
0x6f: {  	[hbm:s14], [sflag:s24] =	dma.local @!p0 [spmem:s25], $0x1380  }
0x70: {  	s25 =	simm.s32 @!p0 $0x3  }
0x71: {  	s4 =	sadd.s32 $0x1, s4;
	_ =	swait.ge @!p0 [sflag:s25], $0x1380  }
0x72: {  	p1 =	sne.s32 s4, s16;
	[sflag:s25] =	ssyncset.done @!p0 $0x0  }
.Ltmp5:
0x73: {  	s26 =	sshrl.u32 @!p0 s11, $0x3;
	[sflag:s25] =	ssyncadd.s32 @!p0 $0xFFFFEC80;
	(pc) =	sbr.rel @p1 .LBB2_1-.Ltmp5, $4  }
0x74: {  	[hbm:s15], [sflag:s24] =	dma.local @!p0 [spmem:s26], $0x9C0  }
0x75: {  	_ =	swait.ge @!p0 [sflag:s25], $0x9C0  }
0x76: {  	[sflag:s25] =	ssyncset.done @!p0 $0x0  }
0x77: {  	[sflag:s25] =	ssyncadd.s32 @!p0 $0xFFFFF640  }
0x78: {  	_ =	sfence.sel $0x180000  }
0x79: {  	[bflag:$0x0] =	sbarrier.arrive $0xFFFF  }
0x7a: {  	p0 =	sne.s32 s3, $0x0;
	_ =	strace $0x90000047  }
0x7b: {  	s0 =	sadd.s32 @!p0 $0x100000, s0;
	[bflag:$0x2] =	sbarrier.arrive $0xFFFF  }
0x7c: {  	[sflag:s0] =	ssyncadd.tile.s32 @!p0 $0x1;
	_ =	shalt  }
.Lfunc_end2:
_tile_overlayer_lowered:
.L_overlay_start_2:
0x7d: {  	(tag) =	ssettag $0x2  }
0x7e: {  	s0 =	rddreg [dreg:$0x0];
	s2 =	stileid.u32  }
0x7f: {  	s1 =	rddreg [dreg:$0x1];
	p0 =	sne.s32 s2, $0x0  }
0x80: {  	s3 =	rddreg [dreg:$0x2];
	[bflag:$0x3] =	sbarrier.arrive $0xFFFF;
	s2 =	simm.s32 @!p0 $0x1C03  }
0x81: {  	[timem:s3], [sflag:s2] =	dma.local @!p0 [hbm:s0], s1  }
0x82: {  	s0 =	simm.s32 @!p0 $0x3  }
0x83: {  	_ =	swait.ge @!p0 [sflag:s0], s1  }
0x84: {  	s1 =	ssub.s32 @!p0 $0x0, s1;
	[sflag:s0] =	ssyncset.done @!p0 $0x0  }
0x85: {  	[sflag:s0] =	ssyncadd.s32 @!p0 s1  }
0x86: {  	[bflag:$0x3] =	sbarrier.arrive $0xFFFF  }
0x87: {  	_ =	shalt  }

// kernel: kernel.14.cloned.1.call-start
scs
__scs_entry_jumppad:
0x0: {  	(pc) =	sbr.rel $0x88, $3  }
0x1: {  	(tag) =	ssettag $0x0;
	lr =	simm.s32 $0x1  }
0x2: {  	[smem:$0x3F8C] =	sst lr;
	_ =	strace $0xD0000000  }
0x3: {  	_ = 	snop  }
0x4: {  	_ = 	snop  }
0x5: {  	_ = 	snop  }
0x6: {  	_ = 	snop  }
0x7: {  	_ = 	snop  }
__scs_overlays_trampoline_lowered:
0x8: {  	[smem:$0x3F9B] =	sst s0  }
0x9: {  	[smem:$0x3F9C] =	sst s1  }
0xa: {  	[smem:$0x3F9D] =	sst s2  }
0xb: {  	[smem:$0x3F9E] =	sst s3  }
0xc: {  	[smem:$0x3F9F] =	sst s4  }
0xd: {  	[smem:$0x3FA0] =	sst s5  }
0xe: {  	[smem:$0x3FA1] =	sst s6  }
0xf: {  	[smem:$0x3FA2] =	sst s7  }
0x10: {  	[smem:$0x3FA3] =	sst s8  }
0x11: {  	[smem:$0x3FA4] =	sst s9;
	s0 =	simm.s32 @!p0 $0x0  }
0x12: {  	s1 =	sld [smem:$0x3F8A];
	s0 =	simm.s32 @p0 $0x1  }
0x13: {  	[smem:$0x3FA5] =	sst s0;
	s0 =	simm.s32 @!p1 $0x0  }
0x14: {  	s2 =	sld [smem:$0x3F89];
	s0 =	simm.s32 @p1 $0x1  }
0x15: {  	[smem:$0x3FA6] =	sst s0;
	s0 =	simm.s32 @!p2 $0x0  }
0x16: {  	s3 =	sld [smem:$0x3FDB];
	s0 =	simm.s32 @p2 $0x1  }
0x17: {  	s4 =	simm.s32 $0x1BF5;
	[smem:$0x3FA8] =	sst s0  }
0x18: {  	s0 =	sld [smem:$0x3F8B];
	_ =	swait.ge [sflag:s4], $0x0  }
0x19: {  	s7 =	sld [smem:$0x3F8C]  }
0x1a: {  	s8 =	sadd.s32 $0xFFFFE003, lr  }
0x1b: {  	s9 =	sadd.s32 $0xFFFFFEF7, lr;
	s5 =	simm.s32 $0xFFFFFFFF;
	p2 =	slt.u32 s8, $0xFFFFF086  }
0x1c: {  	p1 =	slt.u32 s9, $0xF7A;
	s5 =	simm.s32 @!p2 $0x0  }
0x1d: {  	s5 =	simm.s32 @p1 $0x1;
	p0 =	seq.s32 s7, s2  }
0x1e: {  	s7 =	smul.u32 @!p0 $0xF7A, s2;
	p2 =	seq.s32 @!p0 s5, $0x0  }
0x1f: {  	s9 =	smul.u32 $0xF7A, s1;
	s8 =	simm.s32 @!p0 $0x1BF5;
	p2 =	por !p2, p0  }
0x20: {  	[sflag:s8] =	ssyncset.s32 @!p0 $0xFFFFF086;
	s6 =	sadd.s32 @!p0 s3, s7;
	s7 =	simm.s32 @!p0 $0x108  }
0x21: {  	s3 =	sadd.s32 s3, s9;
	s6 =	sadd.s32 @!p0 $0x88, s6;
	s7 =	simm.s32 @p2 $0x1082  }
0x22: {  	[simem:s7], [sflag:s8] =	dma.local @!p0 [hbm:s6], $0xF7A  }
0x23: {  	s9 =	sor.u32 $0xD0000000, s2;
	s6 =	simm.s32 $0x108;
	_ =	swait.ge @!p0 [sflag:s8], $0x0  }
0x24: {  	s3 =	sadd.s32 $0x88, s3;
	s6 =	simm.s32 @!p1 $0x1082;
	[sflag:s4] =	ssyncset.s32 $0xFFFFF086  }
0x25: {  	[simem:s6], [sflag:s4] =	dma.local [hbm:s3], $0xF7A  }
0x26: {  	[smem:$0x3F8C] =	sst s1;
	(tag) =	ssettag s2;
	_ =	strace s9  }
0x27: {  	s1 =	sld [smem:$0x3F9C]  }
0x28: {  	s2 =	sld [smem:$0x3F9D]  }
0x29: {  	s4 =	sld [smem:$0x3F9F]  }
0x2a: {  	p0 =	seq.s32 s5, $0x0;
	s5 =	sld [smem:$0x3FA0]  }
0x2b: {  	s6 =	sld [smem:$0x3FA1]  }
0x2c: {  	s7 =	sld [smem:$0x3FA2]  }
0x2d: {  	s3 =	simm.s32 $0x108;
	s8 =	sld [smem:$0x3FA3]  }
0x2e: {  	s3 =	simm.s32 @!p0 $0x1082;
	s9 =	sld [smem:$0x3FA4]  }
0x2f: {  	lr =	sadd.s32 s0, s3;
	s0 =	sld [smem:$0x3F9B]  }
0x30: {  	s3 =	sld [smem:$0x3F9E]  }
0x31: {  	[smem:$0x3FA7] =	sst s10  }
0x32: {  	s10 =	sld [smem:$0x3FA5];
	_ =	sdelay $0x3  }
0x33: {  	p0 =	seq.s32 s10, $0x1;
	s10 =	sld [smem:$0x3FA7];
	_ =	sdelay $0x3  }
0x34: {  	[smem:$0x3FA7] =	sst s10  }
0x35: {  	s10 =	sld [smem:$0x3FA6];
	_ =	sdelay $0x3  }
0x36: {  	p1 =	seq.s32 s10, $0x1;
	s10 =	sld [smem:$0x3FA7];
	_ =	sdelay $0x3  }
0x37: {  	[smem:$0x3FA7] =	sst s10  }
0x38: {  	s10 =	sld [smem:$0x3FA8]  }
0x39: {  	_ = 	snop;
	(pc) =	sbr.ind lr, $3  }
0x3a: {  	_ = 	snop  }
0x3b: {  	_ = 	snop  }
0x3c: {  	p2 =	seq.s32 s10, $0x1;
	s10 =	sld [smem:$0x3FA7]  }
0x3d: {  	_ =	shalt  }
0x3e: {  	_ =	shalt  }
0x3f: {  	_ =	shalt  }
0x40: {  	_ =	shalt  }
0x41: {  	_ =	shalt  }
0x42: {  	_ =	shalt  }
0x43: {  	_ =	shalt  }
0x44: {  	_ =	shalt  }
0x45: {  	_ =	shalt  }
0x46: {  	_ =	shalt  }
0x47: {  	_ =	shalt  }
0x48: {  	_ =	shalt  }
0x49: {  	_ =	shalt  }
0x4a: {  	_ =	shalt  }
0x4b: {  	_ =	shalt  }
0x4c: {  	_ =	shalt  }
0x4d: {  	_ =	shalt  }
0x4e: {  	_ =	shalt  }
0x4f: {  	_ =	shalt  }
0x50: {  	_ =	shalt  }
0x51: {  	_ =	shalt  }
0x52: {  	_ =	shalt  }
0x53: {  	_ =	shalt  }
0x54: {  	_ =	shalt  }
0x55: {  	_ =	shalt  }
0x56: {  	_ =	shalt  }
0x57: {  	_ =	shalt  }
0x58: {  	_ =	shalt  }
0x59: {  	_ =	shalt  }
0x5a: {  	_ =	shalt  }
0x5b: {  	_ =	shalt  }
0x5c: {  	_ =	shalt  }
0x5d: {  	_ =	shalt  }
0x5e: {  	_ =	shalt  }
0x5f: {  	_ =	shalt  }
0x60: {  	_ =	shalt  }
0x61: {  	_ =	shalt  }
0x62: {  	_ =	shalt  }
0x63: {  	_ =	shalt  }
0x64: {  	_ =	shalt  }
0x65: {  	_ =	shalt  }
0x66: {  	_ =	shalt  }
0x67: {  	_ =	shalt  }
0x68: {  	_ =	shalt  }
0x69: {  	_ =	shalt  }
0x6a: {  	_ =	shalt  }
0x6b: {  	_ =	shalt  }
0x6c: {  	_ =	shalt  }
0x6d: {  	_ =	shalt  }
0x6e: {  	_ =	shalt  }
0x6f: {  	_ =	shalt  }
0x70: {  	_ =	shalt  }
0x71: {  	_ =	shalt  }
0x72: {  	_ =	shalt  }
0x73: {  	_ =	shalt  }
0x74: {  	_ =	shalt  }
0x75: {  	_ =	shalt  }
0x76: {  	_ =	shalt  }
0x77: {  	_ =	shalt  }
0x78: {  	_ =	shalt  }
0x79: {  	_ =	shalt  }
0x7a: {  	_ =	shalt  }
0x7b: {  	_ =	shalt  }
0x7c: {  	_ =	shalt  }
0x7d: {  	_ =	shalt  }
0x7e: {  	_ =	shalt  }
0x7f: {  	_ =	shalt  }
0x80: {  	_ =	shalt  }
0x81: {  	_ =	shalt  }
0x82: {  	_ =	shalt  }
0x83: {  	_ =	shalt  }
0x84: {  	_ =	shalt  }
0x85: {  	_ =	shalt  }
0x86: {  	_ =	shalt  }
0x87: {  	_ =	shalt  }
.Lfunc_end0:
.L_simem_size_0:
called_computation.1_lowered:
.L_overlay_start_0:
0x88: {  	s2 =	sld [smem:$0x3FD9]  }
0x89: {  	s3 =	sld [smem:$0x3FFE];
	_ =	sdelay $0x1  }
0x8a: {  	s1 =	srdreg.scid  }
0x8b: {  	s0 =	sand.u32 $0x1, s1  }
0x8c: {  	s17 =	sshll.u32 s0, $0xA;
	s2 =	sadd.s32 s3, s2  }
0x8d: {  	s2 =	sadd.s32 s2, s17  }
0x8e: {  	[smem:$0x3FB3] =	sst s2  }
0x8f: {  	_ = 	snop  }
0x90: {  	s2 =	sld [smem:$0x3FD0];
	(tm) =	ssettm $0x1  }
0x91: {  	s18 =	sld [smem:$0x3FFB];
	_ =	sdelay $0x3  }
0x92: {  	_ =	strace s18  }
0x93: {  	s3 =	sld [smem:$0x3FFC];
	_ =	sdelay $0x3  }
0x94: {  	_ =	strace s3  }
0x95: {  	s3 =	sld [smem:$0x3FFD];
	_ =	sdelay $0x3  }
0x96: {  	_ =	strace s3  }
0x97: {  	_ =	strace $0x8FFFFFFF  }
0x98: {  	s19 =	sld [smem:$0x3FDB];
	_ =	sdelay $0x1  }
0x99: {  	s4 =	simm.s32 $_scs_section_size  }
0x9a: {  	s5 =	simm.s32 $_size__tile_overlayer_lowered;
	s6 =	simm.s32 $_tile_overlayer_lowered  }
0x9b: {  	s22 =	simm.s32 $0x1BFF;
	s21 =	sshll.u32 s6, $0x1;
	s3 =	sadd.s32 s4, s19  }
0x9c: {  	s7 =	simm.s32 $0x0;
	s20 =	sshll.u32 s5, $0x1;
	s5 =	sadd.s32 s21, s3  }
0x9d: {  	[timem:s7], [sflag:s22] =	dma.local [hbm:s5], s20  }
0x9e: {  	_ =	swait.ge [sflag:s22], s20  }
0x9f: {  	s4 =	ssub.s32 $0x0, s20;
	[sflag:s22] =	ssyncset.done $0x0  }
0xa0: {  	[sflag:s22] =	ssyncadd.s32 s4;
	_ =	sdelay $0x1  }
0xa1: {  	s23 =	simm.s32 $0x1B8B  }
0xa2: {  	_ =	swait.ge [sflag:s23], $0x1  }
0xa3: {  	[sflag:s23] =	ssyncset.done $0x0  }
0xa4: {  	s25 =	simm.s32 $0x1B8E;
	s24 =	sld [smem:$0x3FFE];
	[sflag:s23] =	ssyncadd.s32 $0xFFFFFFFF  }
0xa5: {  	s26 =	simm.s32 $execute0_lowered;
	[smem:$0x3FD2] =	sst s25  }
0xa6: {  	s5 =	sshll.u32 s26, $0x1;
	_ =	strace $0x80000049;
	[dreg:$0x1] =	wrdreg $0xFFFFFFFF  }
0xa7: {  	s28 =	simm.s32 $_size_execute0_lowered;
	s3 =	sadd.s32 s3, s5;
	[dreg:$0x0] =	wrdreg $0x0  }
0xa8: {  	s5 =	sshll.u32 s28, $0x1;
	[dreg:$0x2] =	wrdreg s3  }
0xa9: {  	[dreg:$0x3] =	wrdreg s5  }
0xaa: {  	[dreg:$0x4] =	wrdreg $0xC0  }
0xab: {  	_ =	task [dreg:s7], $0x5FFFF  }
0xac: {  	[dreg:$0x1] =	wrdreg $0xFFFFFFFF  }
0xad: {  	[dreg:$0x0] =	wrdreg $0x60  }
0xae: {  	[dreg:$0x2] =	wrdreg s24  }
0xaf: {  	[dreg:$0x3] =	wrdreg s2  }
0xb0: {  	[dreg:$0x4] =	wrdreg $0xB4A00  }
0xb1: {  	[dreg:$0x5] =	wrdreg $0x9  }
0xb2: {  	_ =	task.clear_ibuf [dreg:s7], $0x6FFFF;
	_ =	strace $0x90000049  }
0xb3: {  	s29 =	simm.s32 $0x9;
	_ =	strace $0x8000004B  }
0xb4: {  	_ =	swait.ge [sflag:s29], $0x1  }
0xb5: {  	[sflag:s29] =	ssyncadd.s32 $0xFFFFFFFF  }
0xb6: {  	_ =	strace $0x9000004B  }
0xb7: {  	_ =	sfence  }
0xb8: {  	s30 =	sld [smem:$0x0];
	_ =	sdelay $0x2  }
0xb9: {  	s31 =	sshll.u32 s1, $0xD;
	s1 =	sshrl.u32 s1, $0x2  }
0xba: {  	s3 =	sand.u32 $0x4000, s31;
	s1 =	sadd.s32 s1, s30  }
0xbb: {  	s0 =	sor.u32 s3, s0;
	s1 =	sshll.u32 s1, $0x11  }
0xbc: {  	s0 =	sor.u32 s1, s0  }
0xbd: {  	s0 =	sadd.s32 $0x8F2B, s0  }
0xbe: {  	[sflag:s0] =	ssyncadd.remote.s32 $0x1  }
0xbf: {  	_ =	sfence.sel $0xFFFF  }
0xc0: {  	[dreg:$0x0] =	wrdreg $0xFFFFFFFF;
	(pc) =	sbr.abs _section_cstart, $3  }
0xc1: {  	[dreg:$0x1] =	wrdreg $0xFFFFFFFF  }
0xc2: {  	_ =	task.clear_ibuf [dreg:s7], $0x2FFFF;
	_ =	strace $0x9FFFFFFF  }
0xc3: {  	(tm) =	ssettm $0x7FFFFFFF  }
tec
execute0_lowered:
.L_overlay_start_1:
0x0: {  	(tag) =	ssettag $0x1  }
0x1: {  	s7 =	rddreg [dreg:$0x0]  }
0x2: {  	s11 =	rddreg [dreg:$0x1]  }
0x3: {  	s1 =	rddreg [dreg:$0x2]  }
0x4: {  	s0 =	rddreg [dreg:$0x3];
	s3 =	simm.s32 $0x0  }
0x5: {  	s4 =	srdreg.scid;
	s2 =	stileid.u32;
	s15 =	simm.s32 $0xA0  }
0x6: {  	s16 =	simm.s32 $0xAA0;
	s17 =	simm.s32 $0x1;
	s18 =	simm.s32 $0x2  }
0x7: {  	[smem:$0x7FF] =	sst s3;
	s8 =	sand.u32 $0x1, s4;
	s9 =	smul.u32 $0x27000, s2  }
0x8: {  	s4 =	sadd.s32 $0x22400, s7;
	s5 =	sadd.s32 $0x18600, s7;
	s14 =	smul.u32 $0x4E0, s2  }
0x9: {  	s6 =	sadd.s32 $0x2C200, s7;
	s7 =	sadd.s32 $0x4C00, s7;
	s31 =	sshll.u32 s2, $0x1  }
0xa: {  	p0 =	seq.s32 s2, $0xF;
	s10 =	ssub.s32 $0x2, s8;
	s12 =	smul.u32 $0x4E20, s8  }
0xb: {  	_ =	strace $0x8000004A;
	s13 =	sshrl.u32 s10, $0x1;
	s9 =	sshrl.u32 s9, $0x2  }
0xc: {  	s13 =	ssub.s32 s10, s13;
	s12 =	sadd.s32 s14, s12;
	s10 =	sor.u32 s8, s31  }
0xd: {  	s8 =	sadd.s32 s9, s1;
	s9 =	sadd.s32 $0x92400, s1;
	s14 =	simm.s32 $0x50  }
0xe: {  	s12 =	sshll.u32 s12, $0x2;
	s10 =	smul.u32 $0x2710, s10;
	s19 =	sshrl.u32 @p0 s9, $0x3  }
0xf: {  	v0 =	vimm.f32 $0.0e+00;
	s11 =	sadd.s32 s11, s12;
	s12 =	smax.u32 s13, $0x1;
	s13 =	simm.s32 $0x3  }
.LBB2_1:
0x10: {  	s20 =	simm.s32 $0x80;
	s21 =	simm.s32 $0x0  }
.LBB2_2:
0x11: {  	p1 =	sne.s32 s20, $0x27F80;
	[tilespmem:s21+$0x14A0] =	vst v0;
	s22 =	smov.u32 s20;
	s20 =	sadd.s32 $0x80, s20  }
.Ltmp0:
0x12: {  	[tilespmem:s21+$0x14B0] =	vst v0;
	(pc) =	sbr.rel @p1 .LBB2_2-.Ltmp0, $2  }
0x13: {  	_ =	sdelay $0x2  }
0x14: {  	s21 =	sshra.s32 s22, $0x2  }
0x15: {  	[tilespmem:s21+$0x14A0] =	vst v0  }
0x16: {  	[tilespmem:s21+$0x14B0] =	vst v0;
	s20 =	simm.s32 @p0 $0x14A0  }
0x17: {  	[spmem:s9] =	stream.linear.scatter @p0 [tilespmem:s20], [sflag:$0x3], $0xA000, $0x38;
	[tilespmem:$0x150E0] =	vst v63  }
0x18: {  	s20 =	simm.s32 @p0 $0x3  }
0x19: {  	_ =	swait.ge @p0 [sflag:s20], $0xA000  }
0x1a: {  	[sflag:s20] =	ssyncset.done @p0 $0x0  }
0x1b: {  	[sflag:s20] =	ssyncadd.s32 @p0 $0xFFFF6000;
	s20 =	simm.s32 @!p0 $0x14A0  }
0x1c: {  	[spmem:s8] =	stream.linear.scatter @!p0 [tilespmem:s20], [sflag:$0x3], $0x9C00, $0x38;
	[tilespmem:$0x150E0] =	vst v63  }
0x1d: {  	s20 =	simm.s32 @!p0 $0x3  }
0x1e: {  	_ =	swait.ge @!p0 [sflag:s20], $0x9C00  }
0x1f: {  	[sflag:s20] =	ssyncset.done @!p0 $0x0  }
0x20: {  	[sflag:s20] =	ssyncadd.s32 @!p0 $0xFFFF6400  }
0x21: {  	s21 =	simm.s32 $0x0;
	s20 =	simm.s32 $0x0;
	[bflag:$0x0] =	sbarrier.arrive $0xFFFF  }
.LBB2_4:
0x22: {  	s22 =	smul.u32 $0x50, s21;
	_ =	sdelay $0x1  }
0x23: {  	s22 =	sadd.s32 s10, s22  }
0x24: {  	s22 =	sshrl.u32 s22, $0x3  }
0x25: {  	s23 =	sadd.s32 s4, s22  }
0x26: {  	[tilespmem:s20], [sflag:$0x3] =	stream.linear.gather [hbm4b:s23+s20], $0x50, $0x38;
	[tilespmem:$0x150E0] =	vst v63  }
0x27: {  	_ =	swait.ge [sflag:s13], $0x50  }
0x28: {  	[sflag:s13] =	ssyncset.done $0x0  }
0x29: {  	s22 =	sadd.s32 s5, s22;
	[sflag:s13] =	ssyncadd.s32 $0xFFFFFFB0  }
0x2a: {  	[tilespmem:s14], [sflag:$0x3] =	stream.linear.gather [hbm4b:s22+s20], $0x50, $0x38;
	[tilespmem:$0x150E0] =	vst v63  }
0x2b: {  	_ =	swait.ge [sflag:s13], $0x50  }
0x2c: {  	[sflag:s13] =	ssyncset.done $0x0  }
0x2d: {  	[sflag:s13] =	ssyncadd.s32 $0xFFFFFFB0  }
0x2e: {  	[tilespmem:s15], [sflag:$0x1] =	stream.indirect.gather [hbm4b:s6+s14], $0x20, s20, s14, $0xb8;
	[tilespmem:$0x150E0] =	vst v63  }
0x2f: {  	_ = 	snop  }
0x30: {  	[tilespmem:s16], [sflag:$0x2] =	stream.indirect.gather [hbm4b:s7+s14], $0x20, s14, s14, $0xb8;
	[tilespmem:$0x150E0] =	vst v63  }
0x31: {  	_ =	swait.ge [sflag:s17], $0xA00  }
0x32: {  	[sflag:s17] =	ssyncset.done $0x0  }
0x33: {  	[sflag:s17] =	ssyncadd.s32 $0xFFFFF600  }
0x34: {  	_ =	swait.ge [sflag:s18], $0xA00  }
0x35: {  	[sflag:s18] =	ssyncset.done $0x0  }
0x36: {  	s22 =	simm.s32 $0x0;
	[sflag:s18] =	ssyncadd.s32 $0xFFFFF600  }
0x37: {  	v1 =	vld [tilespmem:s22+$0xA0]  }
0x38: {  	v2 =	vld [tilespmem:s22+$0xB0]  }
0x39: {  	s23 =	simm.s32 $0x80;
	v3 =	vld [tilespmem:s22+$0xAA0]  }
.LBB2_5:
0x3a: {  	p1 =	sne.s32 s23, $0x2780;
	v4 =	vld [tilespmem:s22+$0xAB0];
	_ =	sdelay $0x3  }
.Ltmp1:
0x3b: {  	v3 =	vadd.f32 v3, v1;
	(pc) =	sbr.rel @p1 .LBB2_5-.Ltmp1, $4  }
0x3c: {  	s24 =	sshra.s32 s23, $0x2;
	v4 =	vadd.f32 v4, v2  }
0x3d: {  	v1 =	vld [tilespmem:s24+$0xA0];
	v3 =	vmax.f32 v3, $0.0e+00  }
0x3e: {  	v2 =	vld [tilespmem:s24+$0xB0];
	[tilespmem:s22+$0xAA0] =	vst v3;
	v4 =	vmax.f32 v4, $0.0e+00  }
0x3f: {  	s23 =	sadd.s32 $0x80, s23;
	v3 =	vld [tilespmem:s24+$0xAA0];
	[tilespmem:s22+$0xAB0] =	vst v4;
	s22 =	smov.u32 s24  }
0x40: {  	v4 =	vld [tilespmem:s22+$0xAB0];
	_ =	sdelay $0x3  }
0x41: {  	v1 =	vadd.f32 v3, v1  }
0x42: {  	v2 =	vadd.f32 v4, v2  }
0x43: {  	s21 =	sadd.s32 $0x1, s21;
	v1 =	vmax.f32 v1, $0.0e+00  }
0x44: {  	p1 =	sne.s32 s21, $0x7D;
	[tilespmem:s22+$0xAA0] =	vst v1;
	v1 =	vmax.f32 v2, $0.0e+00  }
.Ltmp2:
0x45: {  	[tilespmem:s22+$0xAB0] =	vst v1;
	(pc) =	sbr.rel @p1 .LBB2_4-.Ltmp2, $4  }
0x46: {  	[spmem:s1] =	stream.indirect.scatter.add.f32 [tilespmem:s16], [sflag:$0x3], $0x20, s14, s14, $0xb8;
	[tilespmem:$0x150E0] =	vst v63  }
0x47: {  	_ =	swait.ge [sflag:s13], $0xA00  }
0x48: {  	[sflag:s13] =	ssyncset.done $0x0  }
0x49: {  	[sflag:s13] =	ssyncadd.s32 $0xFFFFF600  }
0x4a: {  	[bflag:$0x0] =	sbarrier.arrive $0xFFFF;
	s20 =	simm.s32 @p0 $0x1FC3  }
0x4b: {  	[hbm:s11], [sflag:s20] =	dma.local @p0 [spmem:s19], $0x1400  }
0x4c: {  	s20 =	simm.s32 @p0 $0x3  }
0x4d: {  	s3 =	sadd.s32 $0x1, s3;
	_ =	swait.ge @p0 [sflag:s20], $0x1400  }
0x4e: {  	s21 =	sshll.u32 @!p0 s2, $0x6;
	p1 =	sne.s32 s3, s12;
	[sflag:s20] =	ssyncset.done @p0 $0x0  }
0x4f: {  	[sflag:s20] =	ssyncadd.s32 @p0 $0xFFFFEC00;
	s20 =	sor.u32 @!p0 $0x1C03, s21;
	s21 =	sshrl.u32 @!p0 s8, $0x3  }
0x50: {  	[hbm:s11], [sflag:s20] =	dma.local @!p0 [spmem:s21], $0x1380  }
.Ltmp3:
0x51: {  	_ = 	snop;
	(pc) =	sbr.rel @p1 .LBB2_1-.Ltmp3, $4  }
0x52: {  	s20 =	simm.s32 @!p0 $0x3  }
0x53: {  	_ =	swait.ge @!p0 [sflag:s20], $0x1380  }
0x54: {  	[sflag:s20] =	ssyncset.done @!p0 $0x0  }
0x55: {  	[sflag:s20] =	ssyncadd.s32 @!p0 $0xFFFFEC80  }
0x56: {  	_ =	sfence.sel $0x180000  }
0x57: {  	[bflag:$0x0] =	sbarrier.arrive $0xFFFF  }
0x58: {  	p0 =	sne.s32 s2, $0x0;
	_ =	strace $0x9000004A  }
0x59: {  	s0 =	sadd.s32 @!p0 $0x100000, s0;
	[bflag:$0x2] =	sbarrier.arrive $0xFFFF  }
0x5a: {  	[sflag:s0] =	ssyncadd.tile.s32 @!p0 $0x1;
	_ =	shalt  }
.Lfunc_end2:
_tile_overlayer_lowered:
.L_overlay_start_2:
0x5b: {  	(tag) =	ssettag $0x2  }
0x5c: {  	s0 =	rddreg [dreg:$0x0];
	s2 =	stileid.u32  }
0x5d: {  	s1 =	rddreg [dreg:$0x1];
	p0 =	sne.s32 s2, $0x0  }
0x5e: {  	s3 =	rddreg [dreg:$0x2];
	[bflag:$0x3] =	sbarrier.arrive $0xFFFF;
	s2 =	simm.s32 @!p0 $0x1C03  }
0x5f: {  	[timem:s3], [sflag:s2] =	dma.local @!p0 [hbm:s0], s1  }
0x60: {  	s0 =	simm.s32 @!p0 $0x3  }
0x61: {  	_ =	swait.ge @!p0 [sflag:s0], s1  }
0x62: {  	s1 =	ssub.s32 @!p0 $0x0, s1;
	[sflag:s0] =	ssyncset.done @!p0 $0x0  }
0x63: {  	[sflag:s0] =	ssyncadd.s32 @!p0 s1  }
0x64: {  	[bflag:$0x3] =	sbarrier.arrive $0xFFFF  }
0x65: {  	_ =	shalt  }

// kernel: kernel.17.cloned.1.call-start
scs
__scs_entry_jumppad:
0x0: {  	(pc) =	sbr.rel $0x88, $3  }
0x1: {  	(tag) =	ssettag $0x0;
	lr =	simm.s32 $0x1  }
0x2: {  	[smem:$0x3F8C] =	sst lr;
	_ =	strace $0xD0000000  }
0x3: {  	_ = 	snop  }
0x4: {  	_ = 	snop  }
0x5: {  	_ = 	snop  }
0x6: {  	_ = 	snop  }
0x7: {  	_ = 	snop  }
__scs_overlays_trampoline_lowered:
0x8: {  	[smem:$0x3F9B] =	sst s0  }
0x9: {  	[smem:$0x3F9C] =	sst s1  }
0xa: {  	[smem:$0x3F9D] =	sst s2  }
0xb: {  	[smem:$0x3F9E] =	sst s3  }
0xc: {  	[smem:$0x3F9F] =	sst s4  }
0xd: {  	[smem:$0x3FA0] =	sst s5  }
0xe: {  	[smem:$0x3FA1] =	sst s6  }
0xf: {  	[smem:$0x3FA2] =	sst s7  }
0x10: {  	[smem:$0x3FA3] =	sst s8  }
0x11: {  	[smem:$0x3FA4] =	sst s9;
	s0 =	simm.s32 @!p0 $0x0  }
0x12: {  	s1 =	sld [smem:$0x3F8A];
	s0 =	simm.s32 @p0 $0x1  }
0x13: {  	[smem:$0x3FA5] =	sst s0;
	s0 =	simm.s32 @!p1 $0x0  }
0x14: {  	s2 =	sld [smem:$0x3F89];
	s0 =	simm.s32 @p1 $0x1  }
0x15: {  	[smem:$0x3FA6] =	sst s0;
	s0 =	simm.s32 @!p2 $0x0  }
0x16: {  	s3 =	sld [smem:$0x3FDB];
	s0 =	simm.s32 @p2 $0x1  }
0x17: {  	s4 =	simm.s32 $0x1BF5;
	[smem:$0x3FA8] =	sst s0  }
0x18: {  	s0 =	sld [smem:$0x3F8B];
	_ =	swait.ge [sflag:s4], $0x0  }
0x19: {  	s7 =	sld [smem:$0x3F8C]  }
0x1a: {  	s8 =	sadd.s32 $0xFFFFE003, lr  }
0x1b: {  	s9 =	sadd.s32 $0xFFFFFEF7, lr;
	s5 =	simm.s32 $0xFFFFFFFF;
	p2 =	slt.u32 s8, $0xFFFFF086  }
0x1c: {  	p1 =	slt.u32 s9, $0xF7A;
	s5 =	simm.s32 @!p2 $0x0  }
0x1d: {  	s5 =	simm.s32 @p1 $0x1;
	p0 =	seq.s32 s7, s2  }
0x1e: {  	s7 =	smul.u32 @!p0 $0xF7A, s2;
	p2 =	seq.s32 @!p0 s5, $0x0  }
0x1f: {  	s9 =	smul.u32 $0xF7A, s1;
	s8 =	simm.s32 @!p0 $0x1BF5;
	p2 =	por !p2, p0  }
0x20: {  	[sflag:s8] =	ssyncset.s32 @!p0 $0xFFFFF086;
	s6 =	sadd.s32 @!p0 s3, s7;
	s7 =	simm.s32 @!p0 $0x108  }
0x21: {  	s3 =	sadd.s32 s3, s9;
	s6 =	sadd.s32 @!p0 $0x88, s6;
	s7 =	simm.s32 @p2 $0x1082  }
0x22: {  	[simem:s7], [sflag:s8] =	dma.local @!p0 [hbm:s6], $0xF7A  }
0x23: {  	s9 =	sor.u32 $0xD0000000, s2;
	s6 =	simm.s32 $0x108;
	_ =	swait.ge @!p0 [sflag:s8], $0x0  }
0x24: {  	s3 =	sadd.s32 $0x88, s3;
	s6 =	simm.s32 @!p1 $0x1082;
	[sflag:s4] =	ssyncset.s32 $0xFFFFF086  }
0x25: {  	[simem:s6], [sflag:s4] =	dma.local [hbm:s3], $0xF7A  }
0x26: {  	[smem:$0x3F8C] =	sst s1;
	(tag) =	ssettag s2;
	_ =	strace s9  }
0x27: {  	s1 =	sld [smem:$0x3F9C]  }
0x28: {  	s2 =	sld [smem:$0x3F9D]  }
0x29: {  	s4 =	sld [smem:$0x3F9F]  }
0x2a: {  	p0 =	seq.s32 s5, $0x0;
	s5 =	sld [smem:$0x3FA0]  }
0x2b: {  	s6 =	sld [smem:$0x3FA1]  }
0x2c: {  	s7 =	sld [smem:$0x3FA2]  }
0x2d: {  	s3 =	simm.s32 $0x108;
	s8 =	sld [smem:$0x3FA3]  }
0x2e: {  	s3 =	simm.s32 @!p0 $0x1082;
	s9 =	sld [smem:$0x3FA4]  }
0x2f: {  	lr =	sadd.s32 s0, s3;
	s0 =	sld [smem:$0x3F9B]  }
0x30: {  	s3 =	sld [smem:$0x3F9E]  }
0x31: {  	[smem:$0x3FA7] =	sst s10  }
0x32: {  	s10 =	sld [smem:$0x3FA5];
	_ =	sdelay $0x3  }
0x33: {  	p0 =	seq.s32 s10, $0x1;
	s10 =	sld [smem:$0x3FA7];
	_ =	sdelay $0x3  }
0x34: {  	[smem:$0x3FA7] =	sst s10  }
0x35: {  	s10 =	sld [smem:$0x3FA6];
	_ =	sdelay $0x3  }
0x36: {  	p1 =	seq.s32 s10, $0x1;
	s10 =	sld [smem:$0x3FA7];
	_ =	sdelay $0x3  }
0x37: {  	[smem:$0x3FA7] =	sst s10  }
0x38: {  	s10 =	sld [smem:$0x3FA8]  }
0x39: {  	_ = 	snop;
	(pc) =	sbr.ind lr, $3  }
0x3a: {  	_ = 	snop  }
0x3b: {  	_ = 	snop  }
0x3c: {  	p2 =	seq.s32 s10, $0x1;
	s10 =	sld [smem:$0x3FA7]  }
0x3d: {  	_ =	shalt  }
0x3e: {  	_ =	shalt  }
0x3f: {  	_ =	shalt  }
0x40: {  	_ =	shalt  }
0x41: {  	_ =	shalt  }
0x42: {  	_ =	shalt  }
0x43: {  	_ =	shalt  }
0x44: {  	_ =	shalt  }
0x45: {  	_ =	shalt  }
0x46: {  	_ =	shalt  }
0x47: {  	_ =	shalt  }
0x48: {  	_ =	shalt  }
0x49: {  	_ =	shalt  }
0x4a: {  	_ =	shalt  }
0x4b: {  	_ =	shalt  }
0x4c: {  	_ =	shalt  }
0x4d: {  	_ =	shalt  }
0x4e: {  	_ =	shalt  }
0x4f: {  	_ =	shalt  }
0x50: {  	_ =	shalt  }
0x51: {  	_ =	shalt  }
0x52: {  	_ =	shalt  }
0x53: {  	_ =	shalt  }
0x54: {  	_ =	shalt  }
0x55: {  	_ =	shalt  }
0x56: {  	_ =	shalt  }
0x57: {  	_ =	shalt  }
0x58: {  	_ =	shalt  }
0x59: {  	_ =	shalt  }
0x5a: {  	_ =	shalt  }
0x5b: {  	_ =	shalt  }
0x5c: {  	_ =	shalt  }
0x5d: {  	_ =	shalt  }
0x5e: {  	_ =	shalt  }
0x5f: {  	_ =	shalt  }
0x60: {  	_ =	shalt  }
0x61: {  	_ =	shalt  }
0x62: {  	_ =	shalt  }
0x63: {  	_ =	shalt  }
0x64: {  	_ =	shalt  }
0x65: {  	_ =	shalt  }
0x66: {  	_ =	shalt  }
0x67: {  	_ =	shalt  }
0x68: {  	_ =	shalt  }
0x69: {  	_ =	shalt  }
0x6a: {  	_ =	shalt  }
0x6b: {  	_ =	shalt  }
0x6c: {  	_ =	shalt  }
0x6d: {  	_ =	shalt  }
0x6e: {  	_ =	shalt  }
0x6f: {  	_ =	shalt  }
0x70: {  	_ =	shalt  }
0x71: {  	_ =	shalt  }
0x72: {  	_ =	shalt  }
0x73: {  	_ =	shalt  }
0x74: {  	_ =	shalt  }
0x75: {  	_ =	shalt  }
0x76: {  	_ =	shalt  }
0x77: {  	_ =	shalt  }
0x78: {  	_ =	shalt  }
0x79: {  	_ =	shalt  }
0x7a: {  	_ =	shalt  }
0x7b: {  	_ =	shalt  }
0x7c: {  	_ =	shalt  }
0x7d: {  	_ =	shalt  }
0x7e: {  	_ =	shalt  }
0x7f: {  	_ =	shalt  }
0x80: {  	_ =	shalt  }
0x81: {  	_ =	shalt  }
0x82: {  	_ =	shalt  }
0x83: {  	_ =	shalt  }
0x84: {  	_ =	shalt  }
0x85: {  	_ =	shalt  }
0x86: {  	_ =	shalt  }
0x87: {  	_ =	shalt  }
.Lfunc_end0:
.L_simem_size_0:
called_computation.2_lowered:
.L_overlay_start_0:
0x88: {  	s2 =	sld [smem:$0x3FD9]  }
0x89: {  	s3 =	sld [smem:$0x3FFE];
	_ =	sdelay $0x1  }
0x8a: {  	s1 =	srdreg.scid  }
0x8b: {  	s0 =	sand.u32 $0x1, s1  }
0x8c: {  	s17 =	sshll.u32 s0, $0xA;
	s2 =	sadd.s32 s3, s2  }
0x8d: {  	s2 =	sadd.s32 s2, s17  }
0x8e: {  	[smem:$0x3FB3] =	sst s2  }
0x8f: {  	_ = 	snop  }
0x90: {  	s2 =	sld [smem:$0x3FD0];
	(tm) =	ssettm $0x1  }
0x91: {  	s18 =	sld [smem:$0x3FFB];
	_ =	sdelay $0x3  }
0x92: {  	_ =	strace s18  }
0x93: {  	s3 =	sld [smem:$0x3FFC];
	_ =	sdelay $0x3  }
0x94: {  	_ =	strace s3  }
0x95: {  	s3 =	sld [smem:$0x3FFD];
	_ =	sdelay $0x3  }
0x96: {  	_ =	strace s3  }
0x97: {  	_ =	strace $0x8FFFFFFF  }
0x98: {  	s19 =	sld [smem:$0x3FDB];
	_ =	sdelay $0x1  }
0x99: {  	s4 =	simm.s32 $_scs_section_size  }
0x9a: {  	s5 =	simm.s32 $_size__tile_overlayer_lowered;
	s6 =	simm.s32 $_tile_overlayer_lowered  }
0x9b: {  	s22 =	simm.s32 $0x1BFF;
	s21 =	sshll.u32 s6, $0x1;
	s3 =	sadd.s32 s4, s19  }
0x9c: {  	s7 =	simm.s32 $0x0;
	s20 =	sshll.u32 s5, $0x1;
	s5 =	sadd.s32 s21, s3  }
0x9d: {  	[timem:s7], [sflag:s22] =	dma.local [hbm:s5], s20  }
0x9e: {  	_ =	swait.ge [sflag:s22], s20  }
0x9f: {  	s4 =	ssub.s32 $0x0, s20;
	[sflag:s22] =	ssyncset.done $0x0  }
0xa0: {  	[sflag:s22] =	ssyncadd.s32 s4;
	_ =	sdelay $0x1  }
0xa1: {  	s23 =	simm.s32 $0x1B8B  }
0xa2: {  	_ =	swait.ge [sflag:s23], $0x1  }
0xa3: {  	[sflag:s23] =	ssyncset.done $0x0  }
0xa4: {  	s25 =	simm.s32 $0x1B8E;
	s24 =	sld [smem:$0x3FFE];
	[sflag:s23] =	ssyncadd.s32 $0xFFFFFFFF  }
0xa5: {  	s26 =	simm.s32 $execute0_lowered;
	[smem:$0x3FD2] =	sst s25  }
0xa6: {  	s5 =	sshll.u32 s26, $0x1;
	_ =	strace $0x8000004C;
	[dreg:$0x1] =	wrdreg $0xFFFFFFFF  }
0xa7: {  	s28 =	simm.s32 $_size_execute0_lowered;
	s3 =	sadd.s32 s3, s5;
	[dreg:$0x0] =	wrdreg $0x0  }
0xa8: {  	s5 =	sshll.u32 s28, $0x1;
	[dreg:$0x2] =	wrdreg s3  }
0xa9: {  	[dreg:$0x3] =	wrdreg s5  }
0xaa: {  	[dreg:$0x4] =	wrdreg $0xC0  }
0xab: {  	_ =	task [dreg:s7], $0x5FFFF  }
0xac: {  	[dreg:$0x1] =	wrdreg $0xFFFFFFFF  }
0xad: {  	[dreg:$0x0] =	wrdreg $0x60  }
0xae: {  	[dreg:$0x2] =	wrdreg s24  }
0xaf: {  	[dreg:$0x3] =	wrdreg s2  }
0xb0: {  	[dreg:$0x4] =	wrdreg $0xB4A00  }
0xb1: {  	[dreg:$0x5] =	wrdreg $0x9  }
0xb2: {  	_ =	task.clear_ibuf [dreg:s7], $0x6FFFF;
	_ =	strace $0x9000004C  }
0xb3: {  	s29 =	simm.s32 $0x9;
	_ =	strace $0x8000004E  }
0xb4: {  	_ =	swait.ge [sflag:s29], $0x1  }
0xb5: {  	[sflag:s29] =	ssyncadd.s32 $0xFFFFFFFF  }
0xb6: {  	_ =	strace $0x9000004E  }
0xb7: {  	_ =	sfence  }
0xb8: {  	s30 =	sld [smem:$0x0];
	_ =	sdelay $0x2  }
0xb9: {  	s31 =	sshll.u32 s1, $0xD;
	s1 =	sshrl.u32 s1, $0x2  }
0xba: {  	s3 =	sand.u32 $0x4000, s31;
	s1 =	sadd.s32 s1, s30  }
0xbb: {  	s0 =	sor.u32 s3, s0;
	s1 =	sshll.u32 s1, $0x11  }
0xbc: {  	s0 =	sor.u32 s1, s0  }
0xbd: {  	s0 =	sadd.s32 $0x8F2B, s0  }
0xbe: {  	[sflag:s0] =	ssyncadd.remote.s32 $0x1  }
0xbf: {  	_ =	sfence.sel $0xFFFF  }
0xc0: {  	[dreg:$0x0] =	wrdreg $0xFFFFFFFF;
	(pc) =	sbr.abs _section_cstart, $3  }
0xc1: {  	[dreg:$0x1] =	wrdreg $0xFFFFFFFF  }
0xc2: {  	_ =	task.clear_ibuf [dreg:s7], $0x2FFFF;
	_ =	strace $0x9FFFFFFF  }
0xc3: {  	(tm) =	ssettm $0x7FFFFFFF  }
tec
execute0_lowered:
.L_overlay_start_1:
0x0: {  	(tag) =	ssettag $0x1  }
0x1: {  	s7 =	rddreg [dreg:$0x0]  }
0x2: {  	s11 =	rddreg [dreg:$0x1]  }
0x3: {  	s1 =	rddreg [dreg:$0x2]  }
0x4: {  	s0 =	rddreg [dreg:$0x3];
	s3 =	simm.s32 $0x0  }
0x5: {  	s4 =	srdreg.scid;
	s2 =	stileid.u32;
	s15 =	simm.s32 $0xA0  }
0x6: {  	s16 =	simm.s32 $0xAA0;
	s17 =	simm.s32 $0x1;
	s18 =	simm.s32 $0x2  }
0x7: {  	[smem:$0x7FF] =	sst s3;
	s8 =	sand.u32 $0x1, s4;
	s9 =	smul.u32 $0x27000, s2  }
0x8: {  	s4 =	sadd.s32 $0x22400, s7;
	s5 =	sadd.s32 $0x18600, s7;
	s14 =	smul.u32 $0x4E0, s2  }
0x9: {  	s6 =	sadd.s32 $0x2C200, s7;
	s7 =	sadd.s32 $0x4C00, s7;
	s31 =	sshll.u32 s2, $0x1  }
0xa: {  	p0 =	seq.s32 s2, $0xF;
	s10 =	ssub.s32 $0x2, s8;
	s12 =	smul.u32 $0x4E20, s8  }
0xb: {  	_ =	strace $0x8000004D;
	s13 =	sshrl.u32 s10, $0x1;
	s9 =	sshrl.u32 s9, $0x2  }
0xc: {  	s13 =	ssub.s32 s10, s13;
	s12 =	sadd.s32 s14, s12;
	s10 =	sor.u32 s8, s31  }
0xd: {  	s8 =	sadd.s32 s9, s1;
	s9 =	sadd.s32 $0x92400, s1;
	s14 =	simm.s32 $0x50  }
0xe: {  	s12 =	sshll.u32 s12, $0x2;
	s10 =	smul.u32 $0x2710, s10;
	s19 =	sshrl.u32 @p0 s9, $0x3  }
0xf: {  	v0 =	vimm.f32 $0.0e+00;
	s11 =	sadd.s32 s11, s12;
	s12 =	smax.u32 s13, $0x1;
	s13 =	simm.s32 $0x3  }
.LBB2_1:
0x10: {  	s20 =	simm.s32 $0x80;
	s21 =	simm.s32 $0x0  }
.LBB2_2:
0x11: {  	p1 =	sne.s32 s20, $0x27F80;
	[tilespmem:s21+$0x14A0] =	vst v0;
	s22 =	smov.u32 s20;
	s20 =	sadd.s32 $0x80, s20  }
.Ltmp0:
0x12: {  	[tilespmem:s21+$0x14B0] =	vst v0;
	(pc) =	sbr.rel @p1 .LBB2_2-.Ltmp0, $2  }
0x13: {  	_ =	sdelay $0x2  }
0x14: {  	s21 =	sshra.s32 s22, $0x2  }
0x15: {  	[tilespmem:s21+$0x14A0] =	vst v0  }
0x16: {  	[tilespmem:s21+$0x14B0] =	vst v0;
	s20 =	simm.s32 @p0 $0x14A0  }
0x17: {  	[spmem:s9] =	stream.linear.scatter @p0 [tilespmem:s20], [sflag:$0x3], $0xA000, $0x38;
	[tilespmem:$0x150E0] =	vst v63  }
0x18: {  	s20 =	simm.s32 @p0 $0x3  }
0x19: {  	_ =	swait.ge @p0 [sflag:s20], $0xA000  }
0x1a: {  	[sflag:s20] =	ssyncset.done @p0 $0x0  }
0x1b: {  	[sflag:s20] =	ssyncadd.s32 @p0 $0xFFFF6000;
	s20 =	simm.s32 @!p0 $0x14A0  }
0x1c: {  	[spmem:s8] =	stream.linear.scatter @!p0 [tilespmem:s20], [sflag:$0x3], $0x9C00, $0x38;
	[tilespmem:$0x150E0] =	vst v63  }
0x1d: {  	s20 =	simm.s32 @!p0 $0x3  }
0x1e: {  	_ =	swait.ge @!p0 [sflag:s20], $0x9C00  }
0x1f: {  	[sflag:s20] =	ssyncset.done @!p0 $0x0  }
0x20: {  	[sflag:s20] =	ssyncadd.s32 @!p0 $0xFFFF6400  }
0x21: {  	s21 =	simm.s32 $0x0;
	s20 =	simm.s32 $0x0;
	[bflag:$0x0] =	sbarrier.arrive $0xFFFF  }
.LBB2_4:
0x22: {  	s22 =	smul.u32 $0x50, s21;
	_ =	sdelay $0x1  }
0x23: {  	s22 =	sadd.s32 s10, s22  }
0x24: {  	s22 =	sshrl.u32 s22, $0x3  }
0x25: {  	s23 =	sadd.s32 s4, s22  }
0x26: {  	[tilespmem:s20], [sflag:$0x3] =	stream.linear.gather [hbm4b:s23+s20], $0x50, $0x38;
	[tilespmem:$0x150E0] =	vst v63  }
0x27: {  	_ =	swait.ge [sflag:s13], $0x50  }
0x28: {  	[sflag:s13] =	ssyncset.done $0x0  }
0x29: {  	s22 =	sadd.s32 s5, s22;
	[sflag:s13] =	ssyncadd.s32 $0xFFFFFFB0  }
0x2a: {  	[tilespmem:s14], [sflag:$0x3] =	stream.linear.gather [hbm4b:s22+s20], $0x50, $0x38;
	[tilespmem:$0x150E0] =	vst v63  }
0x2b: {  	_ =	swait.ge [sflag:s13], $0x50  }
0x2c: {  	[sflag:s13] =	ssyncset.done $0x0  }
0x2d: {  	[sflag:s13] =	ssyncadd.s32 $0xFFFFFFB0  }
0x2e: {  	[tilespmem:s15], [sflag:$0x1] =	stream.indirect.gather [hbm4b:s6+s14], $0x20, s20, s14, $0xb8;
	[tilespmem:$0x150E0] =	vst v63  }
0x2f: {  	_ = 	snop  }
0x30: {  	[tilespmem:s16], [sflag:$0x2] =	stream.indirect.gather [hbm4b:s7+s14], $0x20, s14, s14, $0xb8;
	[tilespmem:$0x150E0] =	vst v63  }
0x31: {  	_ =	swait.ge [sflag:s17], $0xA00  }
0x32: {  	[sflag:s17] =	ssyncset.done $0x0  }
0x33: {  	[sflag:s17] =	ssyncadd.s32 $0xFFFFF600  }
0x34: {  	_ =	swait.ge [sflag:s18], $0xA00  }
0x35: {  	[sflag:s18] =	ssyncset.done $0x0  }
0x36: {  	s22 =	simm.s32 $0x0;
	[sflag:s18] =	ssyncadd.s32 $0xFFFFF600  }
0x37: {  	v1 =	vld [tilespmem:s22+$0xA0]  }
0x38: {  	v2 =	vld [tilespmem:s22+$0xB0]  }
0x39: {  	s23 =	simm.s32 $0x80;
	v3 =	vld [tilespmem:s22+$0xAA0]  }
.LBB2_5:
0x3a: {  	p1 =	sne.s32 s23, $0x2780;
	v4 =	vld [tilespmem:s22+$0xAB0];
	_ =	sdelay $0x3  }
.Ltmp1:
0x3b: {  	v3 =	vadd.f32 v3, v1;
	(pc) =	sbr.rel @p1 .LBB2_5-.Ltmp1, $4  }
0x3c: {  	s24 =	sshra.s32 s23, $0x2;
	v4 =	vadd.f32 v4, v2  }
0x3d: {  	v1 =	vld [tilespmem:s24+$0xA0];
	v3 =	vmax.f32 v3, $0.0e+00  }
0x3e: {  	v2 =	vld [tilespmem:s24+$0xB0];
	[tilespmem:s22+$0xAA0] =	vst v3;
	v4 =	vmax.f32 v4, $0.0e+00  }
0x3f: {  	s23 =	sadd.s32 $0x80, s23;
	v3 =	vld [tilespmem:s24+$0xAA0];
	[tilespmem:s22+$0xAB0] =	vst v4;
	s22 =	smov.u32 s24  }
0x40: {  	v4 =	vld [tilespmem:s22+$0xAB0];
	_ =	sdelay $0x3  }
0x41: {  	v1 =	vadd.f32 v3, v1  }
0x42: {  	v2 =	vadd.f32 v4, v2  }
0x43: {  	s21 =	sadd.s32 $0x1, s21;
	v1 =	vmax.f32 v1, $0.0e+00  }
0x44: {  	p1 =	sne.s32 s21, $0x7D;
	[tilespmem:s22+$0xAA0] =	vst v1;
	v1 =	vmax.f32 v2, $0.0e+00  }
.Ltmp2:
0x45: {  	[tilespmem:s22+$0xAB0] =	vst v1;
	(pc) =	sbr.rel @p1 .LBB2_4-.Ltmp2, $4  }
0x46: {  	[spmem:s1] =	stream.indirect.scatter.add.f32 [tilespmem:s16], [sflag:$0x3], $0x20, s14, s14, $0xb8;
	[tilespmem:$0x150E0] =	vst v63  }
0x47: {  	_ =	swait.ge [sflag:s13], $0xA00  }
0x48: {  	[sflag:s13] =	ssyncset.done $0x0  }
0x49: {  	[sflag:s13] =	ssyncadd.s32 $0xFFFFF600  }
0x4a: {  	[bflag:$0x0] =	sbarrier.arrive $0xFFFF;
	s20 =	simm.s32 @p0 $0x1FC3  }
0x4b: {  	[hbm:s11], [sflag:s20] =	dma.local @p0 [spmem:s19], $0x1400  }
0x4c: {  	s20 =	simm.s32 @p0 $0x3  }
0x4d: {  	s3 =	sadd.s32 $0x1, s3;
	_ =	swait.ge @p0 [sflag:s20], $0x1400  }
0x4e: {  	s21 =	sshll.u32 @!p0 s2, $0x6;
	p1 =	sne.s32 s3, s12;
	[sflag:s20] =	ssyncset.done @p0 $0x0  }
0x4f: {  	[sflag:s20] =	ssyncadd.s32 @p0 $0xFFFFEC00;
	s20 =	sor.u32 @!p0 $0x1C03, s21;
	s21 =	sshrl.u32 @!p0 s8, $0x3  }
0x50: {  	[hbm:s11], [sflag:s20] =	dma.local @!p0 [spmem:s21], $0x1380  }
.Ltmp3:
0x51: {  	_ = 	snop;
	(pc) =	sbr.rel @p1 .LBB2_1-.Ltmp3, $4  }
0x52: {  	s20 =	simm.s32 @!p0 $0x3  }
0x53: {  	_ =	swait.ge @!p0 [sflag:s20], $0x1380  }
0x54: {  	[sflag:s20] =	ssyncset.done @!p0 $0x0  }
0x55: {  	[sflag:s20] =	ssyncadd.s32 @!p0 $0xFFFFEC80  }
0x56: {  	_ =	sfence.sel $0x180000  }
0x57: {  	[bflag:$0x0] =	sbarrier.arrive $0xFFFF  }
0x58: {  	p0 =	sne.s32 s2, $0x0;
	_ =	strace $0x9000004D  }
0x59: {  	s0 =	sadd.s32 @!p0 $0x100000, s0;
	[bflag:$0x2] =	sbarrier.arrive $0xFFFF  }
0x5a: {  	[sflag:s0] =	ssyncadd.tile.s32 @!p0 $0x1;
	_ =	shalt  }
.Lfunc_end2:
_tile_overlayer_lowered:
.L_overlay_start_2:
0x5b: {  	(tag) =	ssettag $0x2  }
0x5c: {  	s0 =	rddreg [dreg:$0x0];
	s2 =	stileid.u32  }
0x5d: {  	s1 =	rddreg [dreg:$0x1];
	p0 =	sne.s32 s2, $0x0  }
0x5e: {  	s3 =	rddreg [dreg:$0x2];
	[bflag:$0x3] =	sbarrier.arrive $0xFFFF;
	s2 =	simm.s32 @!p0 $0x1C03  }
0x5f: {  	[timem:s3], [sflag:s2] =	dma.local @!p0 [hbm:s0], s1  }
0x60: {  	s0 =	simm.s32 @!p0 $0x3  }
0x61: {  	_ =	swait.ge @!p0 [sflag:s0], s1  }
0x62: {  	s1 =	ssub.s32 @!p0 $0x0, s1;
	[sflag:s0] =	ssyncset.done @!p0 $0x0  }
0x63: {  	[sflag:s0] =	ssyncadd.s32 @!p0 s1  }
0x64: {  	[bflag:$0x3] =	sbarrier.arrive $0xFFFF  }
0x65: {  	_ =	shalt  }

</sc_bundles>
